<compile_context>
chip_gen: v7x
topology: tpu7x:2x2x1
jax: 0.10.2.dev20260603
libtpu: 0.0.44.dev20260713+nightly
codegen_flags: <defaults>
</compile_context>

<pallas_src>
import functools

import jax
import jax.numpy as jnp
from jax import lax
from jax.experimental import pallas as pl
from jax.experimental.pallas import tpu as pltpu
from jax.experimental.pallas import tpu_sc as plsc

NC, NS, L = 2, 16, 16
NW = NC * NS
ROWS, COLS = 32768, 1024
VPR = COLS // L

R_SC = 13312
RPW = R_SC // NW
CH_ROWS = 16
NCH = RPW // CH_ROWS
DEPTH = 2
NACC = 8

TC_BR = 1024
R_TC = ROWS - R_SC
TC_G = R_TC // TC_BR

_mesh = plsc.VectorSubcoreMesh(core_axis_name="c", subcore_axis_name="s")


def _count(buf, accs):
    one = jnp.ones((L,), jnp.int32)
    zero = jnp.zeros((L,), jnp.int32)

    @pl.loop(0, CH_ROWS, init_carry=accs)
    def rows(r, accs):
        @pl.loop(0, VPR // NACC, init_carry=accs)
        def grp(q, accs):
            base = q * (NACC * L)
            new = []
            for j in range(NACC):
                v = buf[r, pl.ds(base + j * L, L)]
                new.append(accs[j] + jnp.where(v > 0.0, one, zero))
            return tuple(new)

        return grp

    return rows


@functools.partial(
    pl.kernel,
    out_type=jax.ShapeDtypeStruct((2, NW, L), jnp.int32),
    mesh=_mesh,
    scratch_types=(
        [pltpu.VMEM((CH_ROWS, COLS), jnp.float32)] * (2 * DEPTH)
        + [pltpu.VMEM((L,), jnp.int32)]
        + [pltpu.SemaphoreType.DMA] * (2 * DEPTH)
    ),
)
def _partials(x_hbm, y_hbm, part_hbm, *scratch):
    xb = scratch[0:DEPTH]
    yb = scratch[DEPTH : 2 * DEPTH]
    outv = scratch[2 * DEPTH]
    sx = scratch[2 * DEPTH + 1 : 2 * DEPTH + 1 + DEPTH]
    sy = scratch[2 * DEPTH + 1 + DEPTH :]

    c = lax.axis_index("c")
    s = lax.axis_index("s")
    wid = s * NC + c
    base = wid * RPW

    for k in range(DEPTH):
        pltpu.async_copy(
            x_hbm.at[pl.ds(base + k * CH_ROWS, CH_ROWS), :], xb[k], sx[k]
        )
        pltpu.async_copy(
            y_hbm.at[pl.ds(base + k * CH_ROWS, CH_ROWS), :], yb[k], sy[k]
        )

    zero = jnp.zeros((L,), jnp.int32)
    zeros8 = tuple(zero for _ in range(NACC))

    @pl.loop(0, NCH // DEPTH, init_carry=(zeros8, zeros8))
    def accs(g, carry):
        ax, ay = carry
        off = base + DEPTH * g * CH_ROWS

        for k in range(DEPTH):
            ck = off + k * CH_ROWS

            pltpu.make_async_copy(
                x_hbm.at[pl.ds(ck, CH_ROWS), :], xb[k], sx[k]
            ).wait()
            ax = _count(xb[k], ax)

            @pl.when(DEPTH * g + k + DEPTH < NCH)
            def _(k=k, ck=ck):
                pltpu.async_copy(
                    x_hbm.at[pl.ds(ck + DEPTH * CH_ROWS, CH_ROWS), :],
                    xb[k],
                    sx[k],
                )

            pltpu.make_async_copy(
                y_hbm.at[pl.ds(ck, CH_ROWS), :], yb[k], sy[k]
            ).wait()
            ay = _count(yb[k], ay)

            @pl.when(DEPTH * g + k + DEPTH < NCH)
            def _(k=k, ck=ck):
                pltpu.async_copy(
                    y_hbm.at[pl.ds(ck + DEPTH * CH_ROWS, CH_ROWS), :],
                    yb[k],
                    sy[k],
                )

        return ax, ay

    ax8, ay8 = accs
    ax = ax8[0]
    ay = ay8[0]
    for j in range(1, NACC):
        ax = ax + ax8[j]
        ay = ay + ay8[j]
    outv[...] = ax
    pltpu.sync_copy(outv, part_hbm.at[0, wid])
    outv[...] = ay
    pltpu.sync_copy(outv, part_hbm.at[1, wid])


def _tc_body(x_ref, y_ref, out_ref, acc_ref):
    i = pl.program_id(0)

    @pl.when(i == 0)
    def _():
        acc_ref[0] = 0
        acc_ref[1] = 0

    acc_ref[0] += jnp.sum((x_ref[...] > 0).astype(jnp.int32))
    acc_ref[1] += jnp.sum((y_ref[...] > 0).astype(jnp.int32))

    @pl.when(i == TC_G - 1)
    def _():
        row = lax.broadcasted_iota(jnp.int32, (8, 128), 0)
        out_ref[...] = jnp.where(
            row == 0, acc_ref[0], jnp.where(row == 1, acc_ref[1], 0)
        )


_tc_count = pl.pallas_call(
    _tc_body,
    grid=(TC_G,),
    in_specs=[
        pl.BlockSpec((TC_BR, COLS), lambda i: (R_SC // TC_BR + i, 0)),
        pl.BlockSpec((TC_BR, COLS), lambda i: (R_SC // TC_BR + i, 0)),
    ],
    out_specs=pl.BlockSpec((8, 128), lambda i: (0, 0)),
    out_shape=jax.ShapeDtypeStruct((8, 128), jnp.int32),
    scratch_shapes=[pltpu.SMEM((2,), jnp.int32)],
)


def _fin_body(part_ref, tc_ref, out_ref):
    px = jnp.sum(part_ref[0])
    py = jnp.sum(part_ref[1])
    tx = jnp.max(tc_ref[0])
    ty = jnp.max(tc_ref[1])
    out_ref[0, 0] = jnp.maximum(px + tx, py + ty)


_finalize = pl.pallas_call(
    _fin_body,
    grid=(1,),
    in_specs=[
        pl.BlockSpec((2, NW, L), lambda i: (0, 0, 0)),
        pl.BlockSpec((8, 128), lambda i: (0, 0)),
    ],
    out_specs=pl.BlockSpec(memory_space=pltpu.SMEM),
    out_shape=jax.ShapeDtypeStruct((1, 1), jnp.int32),
)


@jax.jit
def kernel(x, y):
    part = _partials(x, y)
    tc = _tc_count(x, y)
    out = _finalize(part, tc)
    return out[0, 0]

# --- scband reference (transcript-rebuilt; emitter-appended) ---
"""Pipeline reference for scband-foo-11879879543468 (READ-ONLY COPY).

The authoritative reference and input builder live on the scoring server;
editing this copy changes nothing except your own understanding.
"""

import jax, jax.numpy as jnp
import numpy as np

def setup_inputs(seed: int = 0) -> dict:
    key = jax.random.key(seed)
    k1, k2 = jax.random.split(key)
    x = jax.random.normal(k1, (32768, 1024), dtype=jnp.float32)
    y = jax.random.normal(k2, (32768, 1024), dtype=jnp.float32)
    return {"x": x, "y": y}

def reference(x, y):
    # torch: x = x[x > 0]; y = y[y > 0]; return max(x.shape[0], y.shape[0])
    # Data-dependent output shapes are not allowed in jitted JAX; the boolean-mask
    # select flattens the tensor and keeps only positive entries, so the resulting
    # shape[0] is exactly the count of positive elements. Faithful equivalent:
    n_x = jnp.sum(x > 0)
    n_y = jnp.sum(y > 0)
    return jnp.maximum(n_x, n_y)

if __name__ == "__main__":
    import jax
    _d = setup_inputs()
    print(jax.jit(kernel)(*tuple(_d.values())))

</pallas_src>

<mosaic_0001>
#map = affine_map<(d0, d1) -> (0, 0)>
#map1 = affine_map<(d0, d1) -> (0, 0, 0)>
module attributes {stable_mosaic.version = 14 : i64} {
  func.func @_partials(%arg0: i32, %arg1: i32, %arg2: memref<32768x1024xf32, #tpu.memory_space<hbm>>, %arg3: memref<32768x1024xf32, #tpu.memory_space<hbm>>, %arg4: memref<2x32x16xi32, #tpu.memory_space<hbm>>, %arg5: memref<16x1024xf32, #tpu.memory_space<vmem>>, %arg6: memref<16x1024xf32, #tpu.memory_space<vmem>>, %arg7: memref<16x1024xf32, #tpu.memory_space<vmem>>, %arg8: memref<16x1024xf32, #tpu.memory_space<vmem>>, %arg9: memref<16xi32, #tpu.memory_space<vmem>>, %arg10: memref<!tpu.dma_semaphore, #tpu.memory_space<semaphore_mem>>, %arg11: memref<!tpu.dma_semaphore, #tpu.memory_space<semaphore_mem>>, %arg12: memref<!tpu.dma_semaphore, #tpu.memory_space<semaphore_mem>>, %arg13: memref<!tpu.dma_semaphore, #tpu.memory_space<semaphore_mem>>) attributes {dimension_semantics = [#tpu.dimension_semantics<core_parallel>, #tpu.dimension_semantics<subcore_parallel>], iteration_bounds = array<i64: 2, 16>, scalar_prefetch = 0 : i64, scratch_operands = 9 : i64, tpu.core_type = #tpu.core_type<sc_vector_subcore>, window_params = [{transform_indices = #map}, {transform_indices = #map}, {transform_indices = #map1}]} {
    %mul3A = arith.constant 2 : i32
    %mul3A_0 = arith.muli %arg1, %mul3A : i32
    %add3A = arith.addi %mul3A_0, %arg0 : i32
    %mul3A_1 = arith.constant 416 : i32
    %mul3A_2 = arith.muli %add3A, %mul3A_1 : i32
    %add3A_3 = arith.constant 0 : i32
    %add3A_4 = arith.addi %mul3A_2, %add3A_3 : i32
    %dma_start3A = arith.constant 0 : i32
    %dma_start3A_5 = tpu.memref_slice %arg2[%add3A_4, %dma_start3A] : memref<32768x1024xf32, #tpu.memory_space<hbm>> -> memref<16x1024xf32, #tpu.memory_space<hbm>>
    %dma_start3A_6 = arith.constant 0 : i32
    %dma_start3A_7 = tpu.memref_slice %arg2[%add3A_4, %dma_start3A_6] : memref<32768x1024xf32, #tpu.memory_space<hbm>> -> memref<16x1024xf32, #tpu.memory_space<hbm>>
    tpu.enqueue_dma source(%dma_start3A_7 : memref<16x1024xf32, #tpu.memory_space<hbm>>) target(%arg5 : memref<16x1024xf32, #tpu.memory_space<vmem>>) target_semaphore(%arg10 : memref<!tpu.dma_semaphore, #tpu.memory_space<semaphore_mem>>)
    %add3A_8 = arith.constant 0 : i32
    %add3A_9 = arith.addi %mul3A_2, %add3A_8 : i32
    %dma_start3A_10 = arith.constant 0 : i32
    %dma_start3A_11 = tpu.memref_slice %arg3[%add3A_9, %dma_start3A_10] : memref<32768x1024xf32, #tpu.memory_space<hbm>> -> memref<16x1024xf32, #tpu.memory_space<hbm>>
    %dma_start3A_12 = arith.constant 0 : i32
    %dma_start3A_13 = tpu.memref_slice %arg3[%add3A_9, %dma_start3A_12] : memref<32768x1024xf32, #tpu.memory_space<hbm>> -> memref<16x1024xf32, #tpu.memory_space<hbm>>
    tpu.enqueue_dma source(%dma_start3A_13 : memref<16x1024xf32, #tpu.memory_space<hbm>>) target(%arg7 : memref<16x1024xf32, #tpu.memory_space<vmem>>) target_semaphore(%arg12 : memref<!tpu.dma_semaphore, #tpu.memory_space<semaphore_mem>>)
    %add3A_14 = arith.constant 16 : i32
    %add3A_15 = arith.addi %mul3A_2, %add3A_14 : i32
    %dma_start3A_16 = arith.constant 0 : i32
    %dma_start3A_17 = tpu.memref_slice %arg2[%add3A_15, %dma_start3A_16] : memref<32768x1024xf32, #tpu.memory_space<hbm>> -> memref<16x1024xf32, #tpu.memory_space<hbm>>
    %dma_start3A_18 = arith.constant 0 : i32
    %dma_start3A_19 = tpu.memref_slice %arg2[%add3A_15, %dma_start3A_18] : memref<32768x1024xf32, #tpu.memory_space<hbm>> -> memref<16x1024xf32, #tpu.memory_space<hbm>>
    tpu.enqueue_dma source(%dma_start3A_19 : memref<16x1024xf32, #tpu.memory_space<hbm>>) target(%arg6 : memref<16x1024xf32, #tpu.memory_space<vmem>>) target_semaphore(%arg11 : memref<!tpu.dma_semaphore, #tpu.memory_space<semaphore_mem>>)
    %add3A_20 = arith.constant 16 : i32
    %add3A_21 = arith.addi %mul3A_2, %add3A_20 : i32
    %dma_start3A_22 = arith.constant 0 : i32
    %dma_start3A_23 = tpu.memref_slice %arg3[%add3A_21, %dma_start3A_22] : memref<32768x1024xf32, #tpu.memory_space<hbm>> -> memref<16x1024xf32, #tpu.memory_space<hbm>>
    %dma_start3A_24 = arith.constant 0 : i32
    %dma_start3A_25 = tpu.memref_slice %arg3[%add3A_21, %dma_start3A_24] : memref<32768x1024xf32, #tpu.memory_space<hbm>> -> memref<16x1024xf32, #tpu.memory_space<hbm>>
    tpu.enqueue_dma source(%dma_start3A_25 : memref<16x1024xf32, #tpu.memory_space<hbm>>) target(%arg8 : memref<16x1024xf32, #tpu.memory_space<vmem>>) target_semaphore(%arg13 : memref<!tpu.dma_semaphore, #tpu.memory_space<semaphore_mem>>)
    %broadcast_in_dim3A = arith.constant 0 : i32
    %broadcast_in_dim3A_26 = vector.broadcast %broadcast_in_dim3A : i32 to vector<16xi32>
    %scan3A = arith.constant 0 : i32
    %scan3A_27 = arith.constant 13 : i32
    %scan3A_28 = arith.addi %scan3A, %scan3A_27 : i32
    %scan3A_29 = arith.constant 1 : i32
    %scan3A_30:16 = scf.for %scan3A_54 = %scan3A to %scan3A_28 step %scan3A_29 iter_args(%scan3A_55 = %broadcast_in_dim3A_26, %scan3A_56 = %broadcast_in_dim3A_26, %scan3A_57 = %broadcast_in_dim3A_26, %scan3A_58 = %broadcast_in_dim3A_26, %scan3A_59 = %broadcast_in_dim3A_26, %scan3A_60 = %broadcast_in_dim3A_26, %scan3A_61 = %broadcast_in_dim3A_26, %scan3A_62 = %broadcast_in_dim3A_26, %scan3A_63 = %broadcast_in_dim3A_26, %scan3A_64 = %broadcast_in_dim3A_26, %scan3A_65 = %broadcast_in_dim3A_26, %scan3A_66 = %broadcast_in_dim3A_26, %scan3A_67 = %broadcast_in_dim3A_26, %scan3A_68 = %broadcast_in_dim3A_26, %scan3A_69 = %broadcast_in_dim3A_26, %scan3A_70 = %broadcast_in_dim3A_26) -> (vector<16xi32>, vector<16xi32>, vector<16xi32>, vector<16xi32>, vector<16xi32>, vector<16xi32>, vector<16xi32>, vector<16xi32>, vector<16xi32>, vector<16xi32>, vector<16xi32>, vector<16xi32>, vector<16xi32>, vector<16xi32>, vector<16xi32>, vector<16xi32>)  : i32 {
      %mul3A_71 = arith.constant 1 : i32
      %mul3A_72 = arith.muli %scan3A_54, %mul3A_71 : i32
      %add3A_73 = arith.constant 0 : i32
      %add3A_74 = arith.addi %add3A_73, %mul3A_72 : i32
      %mul3A_75 = arith.constant 2 : i32
      %mul3A_76 = arith.muli %mul3A_75, %add3A_74 : i32
      %mul3A_77 = arith.constant 16 : i32
      %mul3A_78 = arith.muli %mul3A_76, %mul3A_77 : i32
      %add3A_79 = arith.addi %mul3A_2, %mul3A_78 : i32
      %add3A_80 = arith.constant 0 : i32
      %add3A_81 = arith.addi %add3A_79, %add3A_80 : i32
      %dma_wait3A = arith.constant 0 : i32
      %dma_wait3A_82 = tpu.memref_slice %arg2[%add3A_81, %dma_wait3A] : memref<32768x1024xf32, #tpu.memory_space<hbm>> -> memref<16x1024xf32, #tpu.memory_space<hbm>>
      %dma_wait3A_83 = arith.constant 0 : i32
      %dma_wait3A_84 = tpu.memref_slice %arg2[%add3A_81, %dma_wait3A_83] : memref<32768x1024xf32, #tpu.memory_space<hbm>> -> memref<16x1024xf32, #tpu.memory_space<hbm>>
      tpu.wait_dma2 semaphore(%arg10 : memref<!tpu.dma_semaphore, #tpu.memory_space<semaphore_mem>>) src(%dma_wait3A_84 : memref<16x1024xf32, #tpu.memory_space<hbm>>) dst(%arg5 : memref<16x1024xf32, #tpu.memory_space<vmem>>)
      %broadcast_in_dim3A_85 = arith.constant 1 : i32
      %broadcast_in_dim3A_86 = vector.broadcast %broadcast_in_dim3A_85 : i32 to vector<16xi32>
      %broadcast_in_dim3A_87 = arith.constant 0 : i32
      %broadcast_in_dim3A_88 = vector.broadcast %broadcast_in_dim3A_87 : i32 to vector<16xi32>
      %scan3A_89 = arith.constant 0 : i32
      %scan3A_90 = arith.constant 16 : i32
      %scan3A_91 = arith.addi %scan3A_89, %scan3A_90 : i32
      %scan3A_92 = arith.constant 1 : i32
      %scan3A_93:8 = scf.for %scan3A_180 = %scan3A_89 to %scan3A_91 step %scan3A_92 iter_args(%scan3A_181 = %scan3A_55, %scan3A_182 = %scan3A_56, %scan3A_183 = %scan3A_57, %scan3A_184 = %scan3A_58, %scan3A_185 = %scan3A_59, %scan3A_186 = %scan3A_60, %scan3A_187 = %scan3A_61, %scan3A_188 = %scan3A_62) -> (vector<16xi32>, vector<16xi32>, vector<16xi32>, vector<16xi32>, vector<16xi32>, vector<16xi32>, vector<16xi32>, vector<16xi32>)  : i32 {
        %mul3A_189 = arith.constant 1 : i32
        %mul3A_190 = arith.muli %scan3A_180, %mul3A_189 : i32
        %add3A_191 = arith.constant 0 : i32
        %add3A_192 = arith.addi %add3A_191, %mul3A_190 : i32
        %scan3A_193 = arith.constant 0 : i32
        %scan3A_194 = arith.constant 8 : i32
        %scan3A_195 = arith.addi %scan3A_193, %scan3A_194 : i32
        %scan3A_196 = arith.constant 1 : i32
        %scan3A_197:8 = scf.for %scan3A_199 = %scan3A_193 to %scan3A_195 step %scan3A_196 iter_args(%scan3A_200 = %scan3A_181, %scan3A_201 = %scan3A_182, %scan3A_202 = %scan3A_183, %scan3A_203 = %scan3A_184, %scan3A_204 = %scan3A_185, %scan3A_205 = %scan3A_186, %scan3A_206 = %scan3A_187, %scan3A_207 = %scan3A_188) -> (vector<16xi32>, vector<16xi32>, vector<16xi32>, vector<16xi32>, vector<16xi32>, vector<16xi32>, vector<16xi32>, vector<16xi32>)  : i32 {
          %mul3A_208 = arith.constant 1 : i32
          %mul3A_209 = arith.muli %scan3A_199, %mul3A_208 : i32
          %add3A_210 = arith.constant 0 : i32
          %add3A_211 = arith.addi %add3A_210, %mul3A_209 : i32
          %mul3A_212 = arith.constant 128 : i32
          %mul3A_213 = arith.muli %add3A_211, %mul3A_212 : i32
          %add3A_214 = arith.constant 0 : i32
          %add3A_215 = arith.addi %mul3A_213, %add3A_214 : i32
          %get3A = arith.index_cast %add3A_192 : i32 to index
          %get3A_216 = arith.index_cast %add3A_215 : i32 to index
          %get3A_217 = tpu.vector_load %arg5[%get3A, %get3A_216] {strides = array<i32>} : memref<16x1024xf32, #tpu.memory_space<vmem>>, vector<1x16xf32>,
          %get3A_218 = vector.shape_cast %get3A_217 : vector<1x16xf32> to vector<16xf32>
          %gt3A = arith.constant 0.000000e+00 : f32
          %gt3A_219 = vector.broadcast %gt3A : f32 to vector<16xf32>
          %gt3A_220 = arith.cmpf ogt, %get3A_218, %gt3A_219 : vector<16xf32>
          %select_n3A = arith.select %gt3A_220, %broadcast_in_dim3A_86, %broadcast_in_dim3A_88 : vector<16xi1>, vector<16xi32>
          %add3A_221 = arith.addi %scan3A_200, %select_n3A : vector<16xi32>
          %add3A_222 = arith.constant 16 : i32
          %add3A_223 = arith.addi %mul3A_213, %add3A_222 : i32
          %get3A_224 = arith.index_cast %add3A_192 : i32 to index
          %get3A_225 = arith.index_cast %add3A_223 : i32 to index
          %get3A_226 = tpu.vector_load %arg5[%get3A_224, %get3A_225] {strides = array<i32>} : memref<16x1024xf32, #tpu.memory_space<vmem>>, vector<1x16xf32>,
          %get3A_227 = vector.shape_cast %get3A_226 : vector<1x16xf32> to vector<16xf32>
          %gt3A_228 = arith.constant 0.000000e+00 : f32
          %gt3A_229 = vector.broadcast %gt3A_228 : f32 to vector<16xf32>
          %gt3A_230 = arith.cmpf ogt, %get3A_227, %gt3A_229 : vector<16xf32>
          %select_n3A_231 = arith.select %gt3A_230, %broadcast_in_dim3A_86, %broadcast_in_dim3A_88 : vector<16xi1>, vector<16xi32>
          %add3A_232 = arith.addi %scan3A_201, %select_n3A_231 : vector<16xi32>
          %add3A_233 = arith.constant 32 : i32
          %add3A_234 = arith.addi %mul3A_213, %add3A_233 : i32
          %get3A_235 = arith.index_cast %add3A_192 : i32 to index
          %get3A_236 = arith.index_cast %add3A_234 : i32 to index
          %get3A_237 = tpu.vector_load %arg5[%get3A_235, %get3A_236] {strides = array<i32>} : memref<16x1024xf32, #tpu.memory_space<vmem>>, vector<1x16xf32>,
          %get3A_238 = vector.shape_cast %get3A_237 : vector<1x16xf32> to vector<16xf32>
          %gt3A_239 = arith.constant 0.000000e+00 : f32
          %gt3A_240 = vector.broadcast %gt3A_239 : f32 to vector<16xf32>
          %gt3A_241 = arith.cmpf ogt, %get3A_238, %gt3A_240 : vector<16xf32>
          %select_n3A_242 = arith.select %gt3A_241, %broadcast_in_dim3A_86, %broadcast_in_dim3A_88 : vector<16xi1>, vector<16xi32>
          %add3A_243 = arith.addi %scan3A_202, %select_n3A_242 : vector<16xi32>
          %add3A_244 = arith.constant 48 : i32
          %add3A_245 = arith.addi %mul3A_213, %add3A_244 : i32
          %get3A_246 = arith.index_cast %add3A_192 : i32 to index
          %get3A_247 = arith.index_cast %add3A_245 : i32 to index
          %get3A_248 = tpu.vector_load %arg5[%get3A_246, %get3A_247] {strides = array<i32>} : memref<16x1024xf32, #tpu.memory_space<vmem>>, vector<1x16xf32>,
          %get3A_249 = vector.shape_cast %get3A_248 : vector<1x16xf32> to vector<16xf32>
          %gt3A_250 = arith.constant 0.000000e+00 : f32
          %gt3A_251 = vector.broadcast %gt3A_250 : f32 to vector<16xf32>
          %gt3A_252 = arith.cmpf ogt, %get3A_249, %gt3A_251 : vector<16xf32>
          %select_n3A_253 = arith.select %gt3A_252, %broadcast_in_dim3A_86, %broadcast_in_dim3A_88 : vector<16xi1>, vector<16xi32>
          %add3A_254 = arith.addi %scan3A_203, %select_n3A_253 : vector<16xi32>
          %add3A_255 = arith.constant 64 : i32
          %add3A_256 = arith.addi %mul3A_213, %add3A_255 : i32
          %get3A_257 = arith.index_cast %add3A_192 : i32 to index
          %get3A_258 = arith.index_cast %add3A_256 : i32 to index
          %get3A_259 = tpu.vector_load %arg5[%get3A_257, %get3A_258] {strides = array<i32>} : memref<16x1024xf32, #tpu.memory_space<vmem>>, vector<1x16xf32>,
          %get3A_260 = vector.shape_cast %get3A_259 : vector<1x16xf32> to vector<16xf32>
          %gt3A_261 = arith.constant 0.000000e+00 : f32
          %gt3A_262 = vector.broadcast %gt3A_261 : f32 to vector<16xf32>
          %gt3A_263 = arith.cmpf ogt, %get3A_260, %gt3A_262 : vector<16xf32>
          %select_n3A_264 = arith.select %gt3A_263, %broadcast_in_dim3A_86, %broadcast_in_dim3A_88 : vector<16xi1>, vector<16xi32>
          %add3A_265 = arith.addi %scan3A_204, %select_n3A_264 : vector<16xi32>
          %add3A_266 = arith.constant 80 : i32
          %add3A_267 = arith.addi %mul3A_213, %add3A_266 : i32
          %get3A_268 = arith.index_cast %add3A_192 : i32 to index
          %get3A_269 = arith.index_cast %add3A_267 : i32 to index
          %get3A_270 = tpu.vector_load %arg5[%get3A_268, %get3A_269] {strides = array<i32>} : memref<16x1024xf32, #tpu.memory_space<vmem>>, vector<1x16xf32>,
          %get3A_271 = vector.shape_cast %get3A_270 : vector<1x16xf32> to vector<16xf32>
          %gt3A_272 = arith.constant 0.000000e+00 : f32
          %gt3A_273 = vector.broadcast %gt3A_272 : f32 to vector<16xf32>
          %gt3A_274 = arith.cmpf ogt, %get3A_271, %gt3A_273 : vector<16xf32>
          %select_n3A_275 = arith.select %gt3A_274, %broadcast_in_dim3A_86, %broadcast_in_dim3A_88 : vector<16xi1>, vector<16xi32>
          %add3A_276 = arith.addi %scan3A_205, %select_n3A_275 : vector<16xi32>
          %add3A_277 = arith.constant 96 : i32
          %add3A_278 = arith.addi %mul3A_213, %add3A_277 : i32
          %get3A_279 = arith.index_cast %add3A_192 : i32 to index
          %get3A_280 = arith.index_cast %add3A_278 : i32 to index
          %get3A_281 = tpu.vector_load %arg5[%get3A_279, %get3A_280] {strides = array<i32>} : memref<16x1024xf32, #tpu.memory_space<vmem>>, vector<1x16xf32>,
          %get3A_282 = vector.shape_cast %get3A_281 : vector<1x16xf32> to vector<16xf32>
          %gt3A_283 = arith.constant 0.000000e+00 : f32
          %gt3A_284 = vector.broadcast %gt3A_283 : f32 to vector<16xf32>
          %gt3A_285 = arith.cmpf ogt, %get3A_282, %gt3A_284 : vector<16xf32>
          %select_n3A_286 = arith.select %gt3A_285, %broadcast_in_dim3A_86, %broadcast_in_dim3A_88 : vector<16xi1>, vector<16xi32>
          %add3A_287 = arith.addi %scan3A_206, %select_n3A_286 : vector<16xi32>
          %add3A_288 = arith.constant 112 : i32
          %add3A_289 = arith.addi %mul3A_213, %add3A_288 : i32
          %get3A_290 = arith.index_cast %add3A_192 : i32 to index
          %get3A_291 = arith.index_cast %add3A_289 : i32 to index
          %get3A_292 = tpu.vector_load %arg5[%get3A_290, %get3A_291] {strides = array<i32>} : memref<16x1024xf32, #tpu.memory_space<vmem>>, vector<1x16xf32>,
          %get3A_293 = vector.shape_cast %get3A_292 : vector<1x16xf32> to vector<16xf32>
          %gt3A_294 = arith.constant 0.000000e+00 : f32
          %gt3A_295 = vector.broadcast %gt3A_294 : f32 to vector<16xf32>
          %gt3A_296 = arith.cmpf ogt, %get3A_293, %gt3A_295 : vector<16xf32>
          %select_n3A_297 = arith.select %gt3A_296, %broadcast_in_dim3A_86, %broadcast_in_dim3A_88 : vector<16xi1>, vector<16xi32>
          %add3A_298 = arith.addi %scan3A_207, %select_n3A_297 : vector<16xi32>
          scf.yield %add3A_221, %add3A_232, %add3A_243, %add3A_254, %add3A_265, %add3A_276, %add3A_287, %add3A_298 : vector<16xi32>, vector<16xi32>, vector<16xi32>, vector<16xi32>, vector<16xi32>, vector<16xi32>, vector<16xi32>, vector<16xi32>
        }
        %scan3A_198 = arith.constant 8 : i32
        scf.yield %scan3A_197#0, %scan3A_197#1, %scan3A_197#2, %scan3A_197#3, %scan3A_197#4, %scan3A_197#5, %scan3A_197#6, %scan3A_197#7 : vector<16xi32>, vector<16xi32>, vector<16xi32>, vector<16xi32>, vector<16xi32>, vector<16xi32>, vector<16xi32>, vector<16xi32>
      }
      %scan3A_94 = arith.constant 16 : i32
      %mul3A_95 = arith.constant 2 : i32
      %mul3A_96 = arith.muli %mul3A_95, %add3A_74 : i32
      %add3A_97 = arith.constant 0 : i32
      %add3A_98 = arith.addi %mul3A_96, %add3A_97 : i32
      %add3A_99 = arith.constant 2 : i32
      %add3A_100 = arith.addi %add3A_98, %add3A_99 : i32
      %lt3A = arith.constant 26 : i32
      %lt3A_101 = arith.cmpi slt, %add3A_100, %lt3A : i32
      %convert_element_type3A = arith.extui %lt3A_101 : i1 to i32
      %cond3A = arith.constant 0 : i32
      %cond3A_102 = arith.cmpi ne, %convert_element_type3A, %cond3A : i32
      scf.if %cond3A_102 {
        %add3A_180 = arith.constant 32 : i32
        %add3A_181 = arith.addi %add3A_81, %add3A_180 : i32
        %dma_start3A_182 = arith.constant 0 : i32
        %dma_start3A_183 = tpu.memref_slice %arg2[%add3A_181, %dma_start3A_182] : memref<32768x1024xf32, #tpu.memory_space<hbm>> -> memref<16x1024xf32, #tpu.memory_space<hbm>>
        %dma_start3A_184 = arith.constant 0 : i32
        %dma_start3A_185 = tpu.memref_slice %arg2[%add3A_181, %dma_start3A_184] : memref<32768x1024xf32, #tpu.memory_space<hbm>> -> memref<16x1024xf32, #tpu.memory_space<hbm>>
        tpu.enqueue_dma source(%dma_start3A_185 : memref<16x1024xf32, #tpu.memory_space<hbm>>) target(%arg5 : memref<16x1024xf32, #tpu.memory_space<vmem>>) target_semaphore(%arg10 : memref<!tpu.dma_semaphore, #tpu.memory_space<semaphore_mem>>)
      } else {
      }
      %dma_wait3A_103 = arith.constant 0 : i32
      %dma_wait3A_104 = tpu.memref_slice %arg3[%add3A_81, %dma_wait3A_103] : memref<32768x1024xf32, #tpu.memory_space<hbm>> -> memref<16x1024xf32, #tpu.memory_space<hbm>>
      %dma_wait3A_105 = arith.constant 0 : i32
      %dma_wait3A_106 = tpu.memref_slice %arg3[%add3A_81, %dma_wait3A_105] : memref<32768x1024xf32, #tpu.memory_space<hbm>> -> memref<16x1024xf32, #tpu.memory_space<hbm>>
      tpu.wait_dma2 semaphore(%arg12 : memref<!tpu.dma_semaphore, #tpu.memory_space<semaphore_mem>>) src(%dma_wait3A_106 : memref<16x1024xf32, #tpu.memory_space<hbm>>) dst(%arg7 : memref<16x1024xf32, #tpu.memory_space<vmem>>)
      %broadcast_in_dim3A_107 = arith.constant 1 : i32
      %broadcast_in_dim3A_108 = vector.broadcast %broadcast_in_dim3A_107 : i32 to vector<16xi32>
      %broadcast_in_dim3A_109 = arith.constant 0 : i32
      %broadcast_in_dim3A_110 = vector.broadcast %broadcast_in_dim3A_109 : i32 to vector<16xi32>
      %scan3A_111 = arith.constant 0 : i32
      %scan3A_112 = arith.constant 16 : i32
      %scan3A_113 = arith.addi %scan3A_111, %scan3A_112 : i32
      %scan3A_114 = arith.constant 1 : i32
      %scan3A_115:8 = scf.for %scan3A_180 = %scan3A_111 to %scan3A_113 step %scan3A_114 iter_args(%scan3A_181 = %scan3A_63, %scan3A_182 = %scan3A_64, %scan3A_183 = %scan3A_65, %scan3A_184 = %scan3A_66, %scan3A_185 = %scan3A_67, %scan3A_186 = %scan3A_68, %scan3A_187 = %scan3A_69, %scan3A_188 = %scan3A_70) -> (vector<16xi32>, vector<16xi32>, vector<16xi32>, vector<16xi32>, vector<16xi32>, vector<16xi32>, vector<16xi32>, vector<16xi32>)  : i32 {
        %mul3A_189 = arith.constant 1 : i32
        %mul3A_190 = arith.muli %scan3A_180, %mul3A_189 : i32
        %add3A_191 = arith.constant 0 : i32
        %add3A_192 = arith.addi %add3A_191, %mul3A_190 : i32
        %scan3A_193 = arith.constant 0 : i32
        %scan3A_194 = arith.constant 8 : i32
        %scan3A_195 = arith.addi %scan3A_193, %scan3A_194 : i32
        %scan3A_196 = arith.constant 1 : i32
        %scan3A_197:8 = scf.for %scan3A_199 = %scan3A_193 to %scan3A_195 step %scan3A_196 iter_args(%scan3A_200 = %scan3A_181, %scan3A_201 = %scan3A_182, %scan3A_202 = %scan3A_183, %scan3A_203 = %scan3A_184, %scan3A_204 = %scan3A_185, %scan3A_205 = %scan3A_186, %scan3A_206 = %scan3A_187, %scan3A_207 = %scan3A_188) -> (vector<16xi32>, vector<16xi32>, vector<16xi32>, vector<16xi32>, vector<16xi32>, vector<16xi32>, vector<16xi32>, vector<16xi32>)  : i32 {
          %mul3A_208 = arith.constant 1 : i32
          %mul3A_209 = arith.muli %scan3A_199, %mul3A_208 : i32
          %add3A_210 = arith.constant 0 : i32
          %add3A_211 = arith.addi %add3A_210, %mul3A_209 : i32
          %mul3A_212 = arith.constant 128 : i32
          %mul3A_213 = arith.muli %add3A_211, %mul3A_212 : i32
          %add3A_214 = arith.constant 0 : i32
          %add3A_215 = arith.addi %mul3A_213, %add3A_214 : i32
          %get3A = arith.index_cast %add3A_192 : i32 to index
          %get3A_216 = arith.index_cast %add3A_215 : i32 to index
          %get3A_217 = tpu.vector_load %arg7[%get3A, %get3A_216] {strides = array<i32>} : memref<16x1024xf32, #tpu.memory_space<vmem>>, vector<1x16xf32>,
          %get3A_218 = vector.shape_cast %get3A_217 : vector<1x16xf32> to vector<16xf32>
          %gt3A = arith.constant 0.000000e+00 : f32
          %gt3A_219 = vector.broadcast %gt3A : f32 to vector<16xf32>
          %gt3A_220 = arith.cmpf ogt, %get3A_218, %gt3A_219 : vector<16xf32>
          %select_n3A = arith.select %gt3A_220, %broadcast_in_dim3A_108, %broadcast_in_dim3A_110 : vector<16xi1>, vector<16xi32>
          %add3A_221 = arith.addi %scan3A_200, %select_n3A : vector<16xi32>
          %add3A_222 = arith.constant 16 : i32
          %add3A_223 = arith.addi %mul3A_213, %add3A_222 : i32
          %get3A_224 = arith.index_cast %add3A_192 : i32 to index
          %get3A_225 = arith.index_cast %add3A_223 : i32 to index
          %get3A_226 = tpu.vector_load %arg7[%get3A_224, %get3A_225] {strides = array<i32>} : memref<16x1024xf32, #tpu.memory_space<vmem>>, vector<1x16xf32>,
          %get3A_227 = vector.shape_cast %get3A_226 : vector<1x16xf32> to vector<16xf32>
          %gt3A_228 = arith.constant 0.000000e+00 : f32
          %gt3A_229 = vector.broadcast %gt3A_228 : f32 to vector<16xf32>
          %gt3A_230 = arith.cmpf ogt, %get3A_227, %gt3A_229 : vector<16xf32>
          %select_n3A_231 = arith.select %gt3A_230, %broadcast_in_dim3A_108, %broadcast_in_dim3A_110 : vector<16xi1>, vector<16xi32>
          %add3A_232 = arith.addi %scan3A_201, %select_n3A_231 : vector<16xi32>
          %add3A_233 = arith.constant 32 : i32
          %add3A_234 = arith.addi %mul3A_213, %add3A_233 : i32
          %get3A_235 = arith.index_cast %add3A_192 : i32 to index
          %get3A_236 = arith.index_cast %add3A_234 : i32 to index
          %get3A_237 = tpu.vector_load %arg7[%get3A_235, %get3A_236] {strides = array<i32>} : memref<16x1024xf32, #tpu.memory_space<vmem>>, vector<1x16xf32>,
          %get3A_238 = vector.shape_cast %get3A_237 : vector<1x16xf32> to vector<16xf32>
          %gt3A_239 = arith.constant 0.000000e+00 : f32
          %gt3A_240 = vector.broadcast %gt3A_239 : f32 to vector<16xf32>
          %gt3A_241 = arith.cmpf ogt, %get3A_238, %gt3A_240 : vector<16xf32>
          %select_n3A_242 = arith.select %gt3A_241, %broadcast_in_dim3A_108, %broadcast_in_dim3A_110 : vector<16xi1>, vector<16xi32>
          %add3A_243 = arith.addi %scan3A_202, %select_n3A_242 : vector<16xi32>
          %add3A_244 = arith.constant 48 : i32
          %add3A_245 = arith.addi %mul3A_213, %add3A_244 : i32
          %get3A_246 = arith.index_cast %add3A_192 : i32 to index
          %get3A_247 = arith.index_cast %add3A_245 : i32 to index
          %get3A_248 = tpu.vector_load %arg7[%get3A_246, %get3A_247] {strides = array<i32>} : memref<16x1024xf32, #tpu.memory_space<vmem>>, vector<1x16xf32>,
          %get3A_249 = vector.shape_cast %get3A_248 : vector<1x16xf32> to vector<16xf32>
          %gt3A_250 = arith.constant 0.000000e+00 : f32
          %gt3A_251 = vector.broadcast %gt3A_250 : f32 to vector<16xf32>
          %gt3A_252 = arith.cmpf ogt, %get3A_249, %gt3A_251 : vector<16xf32>
          %select_n3A_253 = arith.select %gt3A_252, %broadcast_in_dim3A_108, %broadcast_in_dim3A_110 : vector<16xi1>, vector<16xi32>
          %add3A_254 = arith.addi %scan3A_203, %select_n3A_253 : vector<16xi32>
          %add3A_255 = arith.constant 64 : i32
          %add3A_256 = arith.addi %mul3A_213, %add3A_255 : i32
          %get3A_257 = arith.index_cast %add3A_192 : i32 to index
          %get3A_258 = arith.index_cast %add3A_256 : i32 to index
          %get3A_259 = tpu.vector_load %arg7[%get3A_257, %get3A_258] {strides = array<i32>} : memref<16x1024xf32, #tpu.memory_space<vmem>>, vector<1x16xf32>,
          %get3A_260 = vector.shape_cast %get3A_259 : vector<1x16xf32> to vector<16xf32>
          %gt3A_261 = arith.constant 0.000000e+00 : f32
          %gt3A_262 = vector.broadcast %gt3A_261 : f32 to vector<16xf32>
          %gt3A_263 = arith.cmpf ogt, %get3A_260, %gt3A_262 : vector<16xf32>
          %select_n3A_264 = arith.select %gt3A_263, %broadcast_in_dim3A_108, %broadcast_in_dim3A_110 : vector<16xi1>, vector<16xi32>
          %add3A_265 = arith.addi %scan3A_204, %select_n3A_264 : vector<16xi32>
          %add3A_266 = arith.constant 80 : i32
          %add3A_267 = arith.addi %mul3A_213, %add3A_266 : i32
          %get3A_268 = arith.index_cast %add3A_192 : i32 to index
          %get3A_269 = arith.index_cast %add3A_267 : i32 to index
          %get3A_270 = tpu.vector_load %arg7[%get3A_268, %get3A_269] {strides = array<i32>} : memref<16x1024xf32, #tpu.memory_space<vmem>>, vector<1x16xf32>,
          %get3A_271 = vector.shape_cast %get3A_270 : vector<1x16xf32> to vector<16xf32>
          %gt3A_272 = arith.constant 0.000000e+00 : f32
          %gt3A_273 = vector.broadcast %gt3A_272 : f32 to vector<16xf32>
          %gt3A_274 = arith.cmpf ogt, %get3A_271, %gt3A_273 : vector<16xf32>
          %select_n3A_275 = arith.select %gt3A_274, %broadcast_in_dim3A_108, %broadcast_in_dim3A_110 : vector<16xi1>, vector<16xi32>
          %add3A_276 = arith.addi %scan3A_205, %select_n3A_275 : vector<16xi32>
          %add3A_277 = arith.constant 96 : i32
          %add3A_278 = arith.addi %mul3A_213, %add3A_277 : i32
          %get3A_279 = arith.index_cast %add3A_192 : i32 to index
          %get3A_280 = arith.index_cast %add3A_278 : i32 to index
          %get3A_281 = tpu.vector_load %arg7[%get3A_279, %get3A_280] {strides = array<i32>} : memref<16x1024xf32, #tpu.memory_space<vmem>>, vector<1x16xf32>,
          %get3A_282 = vector.shape_cast %get3A_281 : vector<1x16xf32> to vector<16xf32>
          %gt3A_283 = arith.constant 0.000000e+00 : f32
          %gt3A_284 = vector.broadcast %gt3A_283 : f32 to vector<16xf32>
          %gt3A_285 = arith.cmpf ogt, %get3A_282, %gt3A_284 : vector<16xf32>
          %select_n3A_286 = arith.select %gt3A_285, %broadcast_in_dim3A_108, %broadcast_in_dim3A_110 : vector<16xi1>, vector<16xi32>
          %add3A_287 = arith.addi %scan3A_206, %select_n3A_286 : vector<16xi32>
          %add3A_288 = arith.constant 112 : i32
          %add3A_289 = arith.addi %mul3A_213, %add3A_288 : i32
          %get3A_290 = arith.index_cast %add3A_192 : i32 to index
          %get3A_291 = arith.index_cast %add3A_289 : i32 to index
          %get3A_292 = tpu.vector_load %arg7[%get3A_290, %get3A_291] {strides = array<i32>} : memref<16x1024xf32, #tpu.memory_space<vmem>>, vector<1x16xf32>,
          %get3A_293 = vector.shape_cast %get3A_292 : vector<1x16xf32> to vector<16xf32>
          %gt3A_294 = arith.constant 0.000000e+00 : f32
          %gt3A_295 = vector.broadcast %gt3A_294 : f32 to vector<16xf32>
          %gt3A_296 = arith.cmpf ogt, %get3A_293, %gt3A_295 : vector<16xf32>
          %select_n3A_297 = arith.select %gt3A_296, %broadcast_in_dim3A_108, %broadcast_in_dim3A_110 : vector<16xi1>, vector<16xi32>
          %add3A_298 = arith.addi %scan3A_207, %select_n3A_297 : vector<16xi32>
          scf.yield %add3A_221, %add3A_232, %add3A_243, %add3A_254, %add3A_265, %add3A_276, %add3A_287, %add3A_298 : vector<16xi32>, vector<16xi32>, vector<16xi32>, vector<16xi32>, vector<16xi32>, vector<16xi32>, vector<16xi32>, vector<16xi32>
        }
        %scan3A_198 = arith.constant 8 : i32
        scf.yield %scan3A_197#0, %scan3A_197#1, %scan3A_197#2, %scan3A_197#3, %scan3A_197#4, %scan3A_197#5, %scan3A_197#6, %scan3A_197#7 : vector<16xi32>, vector<16xi32>, vector<16xi32>, vector<16xi32>, vector<16xi32>, vector<16xi32>, vector<16xi32>, vector<16xi32>
      }
      %scan3A_116 = arith.constant 16 : i32
      %mul3A_117 = arith.constant 2 : i32
      %mul3A_118 = arith.muli %mul3A_117, %add3A_74 : i32
      %add3A_119 = arith.constant 0 : i32
      %add3A_120 = arith.addi %mul3A_118, %add3A_119 : i32
      %add3A_121 = arith.constant 2 : i32
      %add3A_122 = arith.addi %add3A_120, %add3A_121 : i32
      %lt3A_123 = arith.constant 26 : i32
      %lt3A_124 = arith.cmpi slt, %add3A_122, %lt3A_123 : i32
      %convert_element_type3A_125 = arith.extui %lt3A_124 : i1 to i32
      %cond3A_126 = arith.constant 0 : i32
      %cond3A_127 = arith.cmpi ne, %convert_element_type3A_125, %cond3A_126 : i32
      scf.if %cond3A_127 {
        %add3A_180 = arith.constant 32 : i32
        %add3A_181 = arith.addi %add3A_81, %add3A_180 : i32
        %dma_start3A_182 = arith.constant 0 : i32
        %dma_start3A_183 = tpu.memref_slice %arg3[%add3A_181, %dma_start3A_182] : memref<32768x1024xf32, #tpu.memory_space<hbm>> -> memref<16x1024xf32, #tpu.memory_space<hbm>>
        %dma_start3A_184 = arith.constant 0 : i32
        %dma_start3A_185 = tpu.memref_slice %arg3[%add3A_181, %dma_start3A_184] : memref<32768x1024xf32, #tpu.memory_space<hbm>> -> memref<16x1024xf32, #tpu.memory_space<hbm>>
        tpu.enqueue_dma source(%dma_start3A_185 : memref<16x1024xf32, #tpu.memory_space<hbm>>) target(%arg7 : memref<16x1024xf32, #tpu.memory_space<vmem>>) target_semaphore(%arg12 : memref<!tpu.dma_semaphore, #tpu.memory_space<semaphore_mem>>)
      } else {
      }
      %add3A_128 = arith.constant 16 : i32
      %add3A_129 = arith.addi %add3A_79, %add3A_128 : i32
      %dma_wait3A_130 = arith.constant 0 : i32
      %dma_wait3A_131 = tpu.memref_slice %arg2[%add3A_129, %dma_wait3A_130] : memref<32768x1024xf32, #tpu.memory_space<hbm>> -> memref<16x1024xf32, #tpu.memory_space<hbm>>
      %dma_wait3A_132 = arith.constant 0 : i32
      %dma_wait3A_133 = tpu.memref_slice %arg2[%add3A_129, %dma_wait3A_132] : memref<32768x1024xf32, #tpu.memory_space<hbm>> -> memref<16x1024xf32, #tpu.memory_space<hbm>>
      tpu.wait_dma2 semaphore(%arg11 : memref<!tpu.dma_semaphore, #tpu.memory_space<semaphore_mem>>) src(%dma_wait3A_133 : memref<16x1024xf32, #tpu.memory_space<hbm>>) dst(%arg6 : memref<16x1024xf32, #tpu.memory_space<vmem>>)
      %broadcast_in_dim3A_134 = arith.constant 1 : i32
      %broadcast_in_dim3A_135 = vector.broadcast %broadcast_in_dim3A_134 : i32 to vector<16xi32>
      %broadcast_in_dim3A_136 = arith.constant 0 : i32
      %broadcast_in_dim3A_137 = vector.broadcast %broadcast_in_dim3A_136 : i32 to vector<16xi32>
      %scan3A_138 = arith.constant 0 : i32
      %scan3A_139 = arith.constant 16 : i32
      %scan3A_140 = arith.addi %scan3A_138, %scan3A_139 : i32
      %scan3A_141 = arith.constant 1 : i32
      %scan3A_142:8 = scf.for %scan3A_180 = %scan3A_138 to %scan3A_140 step %scan3A_141 iter_args(%scan3A_181 = %scan3A_93#0, %scan3A_182 = %scan3A_93#1, %scan3A_183 = %scan3A_93#2, %scan3A_184 = %scan3A_93#3, %scan3A_185 = %scan3A_93#4, %scan3A_186 = %scan3A_93#5, %scan3A_187 = %scan3A_93#6, %scan3A_188 = %scan3A_93#7) -> (vector<16xi32>, vector<16xi32>, vector<16xi32>, vector<16xi32>, vector<16xi32>, vector<16xi32>, vector<16xi32>, vector<16xi32>)  : i32 {
        %mul3A_189 = arith.constant 1 : i32
        %mul3A_190 = arith.muli %scan3A_180, %mul3A_189 : i32
        %add3A_191 = arith.constant 0 : i32
        %add3A_192 = arith.addi %add3A_191, %mul3A_190 : i32
        %scan3A_193 = arith.constant 0 : i32
        %scan3A_194 = arith.constant 8 : i32
        %scan3A_195 = arith.addi %scan3A_193, %scan3A_194 : i32
        %scan3A_196 = arith.constant 1 : i32
        %scan3A_197:8 = scf.for %scan3A_199 = %scan3A_193 to %scan3A_195 step %scan3A_196 iter_args(%scan3A_200 = %scan3A_181, %scan3A_201 = %scan3A_182, %scan3A_202 = %scan3A_183, %scan3A_203 = %scan3A_184, %scan3A_204 = %scan3A_185, %scan3A_205 = %scan3A_186, %scan3A_206 = %scan3A_187, %scan3A_207 = %scan3A_188) -> (vector<16xi32>, vector<16xi32>, vector<16xi32>, vector<16xi32>, vector<16xi32>, vector<16xi32>, vector<16xi32>, vector<16xi32>)  : i32 {
          %mul3A_208 = arith.constant 1 : i32
          %mul3A_209 = arith.muli %scan3A_199, %mul3A_208 : i32
          %add3A_210 = arith.constant 0 : i32
          %add3A_211 = arith.addi %add3A_210, %mul3A_209 : i32
          %mul3A_212 = arith.constant 128 : i32
          %mul3A_213 = arith.muli %add3A_211, %mul3A_212 : i32
          %add3A_214 = arith.constant 0 : i32
          %add3A_215 = arith.addi %mul3A_213, %add3A_214 : i32
          %get3A = arith.index_cast %add3A_192 : i32 to index
          %get3A_216 = arith.index_cast %add3A_215 : i32 to index
          %get3A_217 = tpu.vector_load %arg6[%get3A, %get3A_216] {strides = array<i32>} : memref<16x1024xf32, #tpu.memory_space<vmem>>, vector<1x16xf32>,
          %get3A_218 = vector.shape_cast %get3A_217 : vector<1x16xf32> to vector<16xf32>
          %gt3A = arith.constant 0.000000e+00 : f32
          %gt3A_219 = vector.broadcast %gt3A : f32 to vector<16xf32>
          %gt3A_220 = arith.cmpf ogt, %get3A_218, %gt3A_219 : vector<16xf32>
          %select_n3A = arith.select %gt3A_220, %broadcast_in_dim3A_135, %broadcast_in_dim3A_137 : vector<16xi1>, vector<16xi32>
          %add3A_221 = arith.addi %scan3A_200, %select_n3A : vector<16xi32>
          %add3A_222 = arith.constant 16 : i32
          %add3A_223 = arith.addi %mul3A_213, %add3A_222 : i32
          %get3A_224 = arith.index_cast %add3A_192 : i32 to index
          %get3A_225 = arith.index_cast %add3A_223 : i32 to index
          %get3A_226 = tpu.vector_load %arg6[%get3A_224, %get3A_225] {strides = array<i32>} : memref<16x1024xf32, #tpu.memory_space<vmem>>, vector<1x16xf32>,
          %get3A_227 = vector.shape_cast %get3A_226 : vector<1x16xf32> to vector<16xf32>
          %gt3A_228 = arith.constant 0.000000e+00 : f32
          %gt3A_229 = vector.broadcast %gt3A_228 : f32 to vector<16xf32>
          %gt3A_230 = arith.cmpf ogt, %get3A_227, %gt3A_229 : vector<16xf32>
          %select_n3A_231 = arith.select %gt3A_230, %broadcast_in_dim3A_135, %broadcast_in_dim3A_137 : vector<16xi1>, vector<16xi32>
          %add3A_232 = arith.addi %scan3A_201, %select_n3A_231 : vector<16xi32>
          %add3A_233 = arith.constant 32 : i32
          %add3A_234 = arith.addi %mul3A_213, %add3A_233 : i32
          %get3A_235 = arith.index_cast %add3A_192 : i32 to index
          %get3A_236 = arith.index_cast %add3A_234 : i32 to index
          %get3A_237 = tpu.vector_load %arg6[%get3A_235, %get3A_236] {strides = array<i32>} : memref<16x1024xf32, #tpu.memory_space<vmem>>, vector<1x16xf32>,
          %get3A_238 = vector.shape_cast %get3A_237 : vector<1x16xf32> to vector<16xf32>
          %gt3A_239 = arith.constant 0.000000e+00 : f32
          %gt3A_240 = vector.broadcast %gt3A_239 : f32 to vector<16xf32>
          %gt3A_241 = arith.cmpf ogt, %get3A_238, %gt3A_240 : vector<16xf32>
          %select_n3A_242 = arith.select %gt3A_241, %broadcast_in_dim3A_135, %broadcast_in_dim3A_137 : vector<16xi1>, vector<16xi32>
          %add3A_243 = arith.addi %scan3A_202, %select_n3A_242 : vector<16xi32>
          %add3A_244 = arith.constant 48 : i32
          %add3A_245 = arith.addi %mul3A_213, %add3A_244 : i32
          %get3A_246 = arith.index_cast %add3A_192 : i32 to index
          %get3A_247 = arith.index_cast %add3A_245 : i32 to index
          %get3A_248 = tpu.vector_load %arg6[%get3A_246, %get3A_247] {strides = array<i32>} : memref<16x1024xf32, #tpu.memory_space<vmem>>, vector<1x16xf32>,
          %get3A_249 = vector.shape_cast %get3A_248 : vector<1x16xf32> to vector<16xf32>
          %gt3A_250 = arith.constant 0.000000e+00 : f32
          %gt3A_251 = vector.broadcast %gt3A_250 : f32 to vector<16xf32>
          %gt3A_252 = arith.cmpf ogt, %get3A_249, %gt3A_251 : vector<16xf32>
          %select_n3A_253 = arith.select %gt3A_252, %broadcast_in_dim3A_135, %broadcast_in_dim3A_137 : vector<16xi1>, vector<16xi32>
          %add3A_254 = arith.addi %scan3A_203, %select_n3A_253 : vector<16xi32>
          %add3A_255 = arith.constant 64 : i32
          %add3A_256 = arith.addi %mul3A_213, %add3A_255 : i32
          %get3A_257 = arith.index_cast %add3A_192 : i32 to index
          %get3A_258 = arith.index_cast %add3A_256 : i32 to index
          %get3A_259 = tpu.vector_load %arg6[%get3A_257, %get3A_258] {strides = array<i32>} : memref<16x1024xf32, #tpu.memory_space<vmem>>, vector<1x16xf32>,
          %get3A_260 = vector.shape_cast %get3A_259 : vector<1x16xf32> to vector<16xf32>
          %gt3A_261 = arith.constant 0.000000e+00 : f32
          %gt3A_262 = vector.broadcast %gt3A_261 : f32 to vector<16xf32>
          %gt3A_263 = arith.cmpf ogt, %get3A_260, %gt3A_262 : vector<16xf32>
          %select_n3A_264 = arith.select %gt3A_263, %broadcast_in_dim3A_135, %broadcast_in_dim3A_137 : vector<16xi1>, vector<16xi32>
          %add3A_265 = arith.addi %scan3A_204, %select_n3A_264 : vector<16xi32>
          %add3A_266 = arith.constant 80 : i32
          %add3A_267 = arith.addi %mul3A_213, %add3A_266 : i32
          %get3A_268 = arith.index_cast %add3A_192 : i32 to index
          %get3A_269 = arith.index_cast %add3A_267 : i32 to index
          %get3A_270 = tpu.vector_load %arg6[%get3A_268, %get3A_269] {strides = array<i32>} : memref<16x1024xf32, #tpu.memory_space<vmem>>, vector<1x16xf32>,
          %get3A_271 = vector.shape_cast %get3A_270 : vector<1x16xf32> to vector<16xf32>
          %gt3A_272 = arith.constant 0.000000e+00 : f32
          %gt3A_273 = vector.broadcast %gt3A_272 : f32 to vector<16xf32>
          %gt3A_274 = arith.cmpf ogt, %get3A_271, %gt3A_273 : vector<16xf32>
          %select_n3A_275 = arith.select %gt3A_274, %broadcast_in_dim3A_135, %broadcast_in_dim3A_137 : vector<16xi1>, vector<16xi32>
          %add3A_276 = arith.addi %scan3A_205, %select_n3A_275 : vector<16xi32>
          %add3A_277 = arith.constant 96 : i32
          %add3A_278 = arith.addi %mul3A_213, %add3A_277 : i32
          %get3A_279 = arith.index_cast %add3A_192 : i32 to index
          %get3A_280 = arith.index_cast %add3A_278 : i32 to index
          %get3A_281 = tpu.vector_load %arg6[%get3A_279, %get3A_280] {strides = array<i32>} : memref<16x1024xf32, #tpu.memory_space<vmem>>, vector<1x16xf32>,
          %get3A_282 = vector.shape_cast %get3A_281 : vector<1x16xf32> to vector<16xf32>
          %gt3A_283 = arith.constant 0.000000e+00 : f32
          %gt3A_284 = vector.broadcast %gt3A_283 : f32 to vector<16xf32>
          %gt3A_285 = arith.cmpf ogt, %get3A_282, %gt3A_284 : vector<16xf32>
          %select_n3A_286 = arith.select %gt3A_285, %broadcast_in_dim3A_135, %broadcast_in_dim3A_137 : vector<16xi1>, vector<16xi32>
          %add3A_287 = arith.addi %scan3A_206, %select_n3A_286 : vector<16xi32>
          %add3A_288 = arith.constant 112 : i32
          %add3A_289 = arith.addi %mul3A_213, %add3A_288 : i32
          %get3A_290 = arith.index_cast %add3A_192 : i32 to index
          %get3A_291 = arith.index_cast %add3A_289 : i32 to index
          %get3A_292 = tpu.vector_load %arg6[%get3A_290, %get3A_291] {strides = array<i32>} : memref<16x1024xf32, #tpu.memory_space<vmem>>, vector<1x16xf32>,
          %get3A_293 = vector.shape_cast %get3A_292 : vector<1x16xf32> to vector<16xf32>
          %gt3A_294 = arith.constant 0.000000e+00 : f32
          %gt3A_295 = vector.broadcast %gt3A_294 : f32 to vector<16xf32>
          %gt3A_296 = arith.cmpf ogt, %get3A_293, %gt3A_295 : vector<16xf32>
          %select_n3A_297 = arith.select %gt3A_296, %broadcast_in_dim3A_135, %broadcast_in_dim3A_137 : vector<16xi1>, vector<16xi32>
          %add3A_298 = arith.addi %scan3A_207, %select_n3A_297 : vector<16xi32>
          scf.yield %add3A_221, %add3A_232, %add3A_243, %add3A_254, %add3A_265, %add3A_276, %add3A_287, %add3A_298 : vector<16xi32>, vector<16xi32>, vector<16xi32>, vector<16xi32>, vector<16xi32>, vector<16xi32>, vector<16xi32>, vector<16xi32>
        }
        %scan3A_198 = arith.constant 8 : i32
        scf.yield %scan3A_197#0, %scan3A_197#1, %scan3A_197#2, %scan3A_197#3, %scan3A_197#4, %scan3A_197#5, %scan3A_197#6, %scan3A_197#7 : vector<16xi32>, vector<16xi32>, vector<16xi32>, vector<16xi32>, vector<16xi32>, vector<16xi32>, vector<16xi32>, vector<16xi32>
      }
      %scan3A_143 = arith.constant 16 : i32
      %mul3A_144 = arith.constant 2 : i32
      %mul3A_145 = arith.muli %mul3A_144, %add3A_74 : i32
      %add3A_146 = arith.constant 1 : i32
      %add3A_147 = arith.addi %mul3A_145, %add3A_146 : i32
      %add3A_148 = arith.constant 2 : i32
      %add3A_149 = arith.addi %add3A_147, %add3A_148 : i32
      %lt3A_150 = arith.constant 26 : i32
      %lt3A_151 = arith.cmpi slt, %add3A_149, %lt3A_150 : i32
      %convert_element_type3A_152 = arith.extui %lt3A_151 : i1 to i32
      %cond3A_153 = arith.constant 0 : i32
      %cond3A_154 = arith.cmpi ne, %convert_element_type3A_152, %cond3A_153 : i32
      scf.if %cond3A_154 {
        %add3A_180 = arith.constant 32 : i32
        %add3A_181 = arith.addi %add3A_129, %add3A_180 : i32
        %dma_start3A_182 = arith.constant 0 : i32
        %dma_start3A_183 = tpu.memref_slice %arg2[%add3A_181, %dma_start3A_182] : memref<32768x1024xf32, #tpu.memory_space<hbm>> -> memref<16x1024xf32, #tpu.memory_space<hbm>>
        %dma_start3A_184 = arith.constant 0 : i32
        %dma_start3A_185 = tpu.memref_slice %arg2[%add3A_181, %dma_start3A_184] : memref<32768x1024xf32, #tpu.memory_space<hbm>> -> memref<16x1024xf32, #tpu.memory_space<hbm>>
        tpu.enqueue_dma source(%dma_start3A_185 : memref<16x1024xf32, #tpu.memory_space<hbm>>) target(%arg6 : memref<16x1024xf32, #tpu.memory_space<vmem>>) target_semaphore(%arg11 : memref<!tpu.dma_semaphore, #tpu.memory_space<semaphore_mem>>)
      } else {
      }
      %dma_wait3A_155 = arith.constant 0 : i32
      %dma_wait3A_156 = tpu.memref_slice %arg3[%add3A_129, %dma_wait3A_155] : memref<32768x1024xf32, #tpu.memory_space<hbm>> -> memref<16x1024xf32, #tpu.memory_space<hbm>>
      %dma_wait3A_157 = arith.constant 0 : i32
      %dma_wait3A_158 = tpu.memref_slice %arg3[%add3A_129, %dma_wait3A_157] : memref<32768x1024xf32, #tpu.memory_space<hbm>> -> memref<16x1024xf32, #tpu.memory_space<hbm>>
      tpu.wait_dma2 semaphore(%arg13 : memref<!tpu.dma_semaphore, #tpu.memory_space<semaphore_mem>>) src(%dma_wait3A_158 : memref<16x1024xf32, #tpu.memory_space<hbm>>) dst(%arg8 : memref<16x1024xf32, #tpu.memory_space<vmem>>)
      %broadcast_in_dim3A_159 = arith.constant 1 : i32
      %broadcast_in_dim3A_160 = vector.broadcast %broadcast_in_dim3A_159 : i32 to vector<16xi32>
      %broadcast_in_dim3A_161 = arith.constant 0 : i32
      %broadcast_in_dim3A_162 = vector.broadcast %broadcast_in_dim3A_161 : i32 to vector<16xi32>
      %scan3A_163 = arith.constant 0 : i32
      %scan3A_164 = arith.constant 16 : i32
      %scan3A_165 = arith.addi %scan3A_163, %scan3A_164 : i32
      %scan3A_166 = arith.constant 1 : i32
      %scan3A_167:8 = scf.for %scan3A_180 = %scan3A_163 to %scan3A_165 step %scan3A_166 iter_args(%scan3A_181 = %scan3A_115#0, %scan3A_182 = %scan3A_115#1, %scan3A_183 = %scan3A_115#2, %scan3A_184 = %scan3A_115#3, %scan3A_185 = %scan3A_115#4, %scan3A_186 = %scan3A_115#5, %scan3A_187 = %scan3A_115#6, %scan3A_188 = %scan3A_115#7) -> (vector<16xi32>, vector<16xi32>, vector<16xi32>, vector<16xi32>, vector<16xi32>, vector<16xi32>, vector<16xi32>, vector<16xi32>)  : i32 {
        %mul3A_189 = arith.constant 1 : i32
        %mul3A_190 = arith.muli %scan3A_180, %mul3A_189 : i32
        %add3A_191 = arith.constant 0 : i32
        %add3A_192 = arith.addi %add3A_191, %mul3A_190 : i32
        %scan3A_193 = arith.constant 0 : i32
        %scan3A_194 = arith.constant 8 : i32
        %scan3A_195 = arith.addi %scan3A_193, %scan3A_194 : i32
        %scan3A_196 = arith.constant 1 : i32
        %scan3A_197:8 = scf.for %scan3A_199 = %scan3A_193 to %scan3A_195 step %scan3A_196 iter_args(%scan3A_200 = %scan3A_181, %scan3A_201 = %scan3A_182, %scan3A_202 = %scan3A_183, %scan3A_203 = %scan3A_184, %scan3A_204 = %scan3A_185, %scan3A_205 = %scan3A_186, %scan3A_206 = %scan3A_187, %scan3A_207 = %scan3A_188) -> (vector<16xi32>, vector<16xi32>, vector<16xi32>, vector<16xi32>, vector<16xi32>, vector<16xi32>, vector<16xi32>, vector<16xi32>)  : i32 {
          %mul3A_208 = arith.constant 1 : i32
          %mul3A_209 = arith.muli %scan3A_199, %mul3A_208 : i32
          %add3A_210 = arith.constant 0 : i32
          %add3A_211 = arith.addi %add3A_210, %mul3A_209 : i32
          %mul3A_212 = arith.constant 128 : i32
          %mul3A_213 = arith.muli %add3A_211, %mul3A_212 : i32
          %add3A_214 = arith.constant 0 : i32
          %add3A_215 = arith.addi %mul3A_213, %add3A_214 : i32
          %get3A = arith.index_cast %add3A_192 : i32 to index
          %get3A_216 = arith.index_cast %add3A_215 : i32 to index
          %get3A_217 = tpu.vector_load %arg8[%get3A, %get3A_216] {strides = array<i32>} : memref<16x1024xf32, #tpu.memory_space<vmem>>, vector<1x16xf32>,
          %get3A_218 = vector.shape_cast %get3A_217 : vector<1x16xf32> to vector<16xf32>
          %gt3A = arith.constant 0.000000e+00 : f32
          %gt3A_219 = vector.broadcast %gt3A : f32 to vector<16xf32>
          %gt3A_220 = arith.cmpf ogt, %get3A_218, %gt3A_219 : vector<16xf32>
          %select_n3A = arith.select %gt3A_220, %broadcast_in_dim3A_160, %broadcast_in_dim3A_162 : vector<16xi1>, vector<16xi32>
          %add3A_221 = arith.addi %scan3A_200, %select_n3A : vector<16xi32>
          %add3A_222 = arith.constant 16 : i32
          %add3A_223 = arith.addi %mul3A_213, %add3A_222 : i32
          %get3A_224 = arith.index_cast %add3A_192 : i32 to index
          %get3A_225 = arith.index_cast %add3A_223 : i32 to index
          %get3A_226 = tpu.vector_load %arg8[%get3A_224, %get3A_225] {strides = array<i32>} : memref<16x1024xf32, #tpu.memory_space<vmem>>, vector<1x16xf32>,
          %get3A_227 = vector.shape_cast %get3A_226 : vector<1x16xf32> to vector<16xf32>
          %gt3A_228 = arith.constant 0.000000e+00 : f32
          %gt3A_229 = vector.broadcast %gt3A_228 : f32 to vector<16xf32>
          %gt3A_230 = arith.cmpf ogt, %get3A_227, %gt3A_229 : vector<16xf32>
          %select_n3A_231 = arith.select %gt3A_230, %broadcast_in_dim3A_160, %broadcast_in_dim3A_162 : vector<16xi1>, vector<16xi32>
          %add3A_232 = arith.addi %scan3A_201, %select_n3A_231 : vector<16xi32>
          %add3A_233 = arith.constant 32 : i32
          %add3A_234 = arith.addi %mul3A_213, %add3A_233 : i32
          %get3A_235 = arith.index_cast %add3A_192 : i32 to index
          %get3A_236 = arith.index_cast %add3A_234 : i32 to index
          %get3A_237 = tpu.vector_load %arg8[%get3A_235, %get3A_236] {strides = array<i32>} : memref<16x1024xf32, #tpu.memory_space<vmem>>, vector<1x16xf32>,
          %get3A_238 = vector.shape_cast %get3A_237 : vector<1x16xf32> to vector<16xf32>
          %gt3A_239 = arith.constant 0.000000e+00 : f32
          %gt3A_240 = vector.broadcast %gt3A_239 : f32 to vector<16xf32>
          %gt3A_241 = arith.cmpf ogt, %get3A_238, %gt3A_240 : vector<16xf32>
          %select_n3A_242 = arith.select %gt3A_241, %broadcast_in_dim3A_160, %broadcast_in_dim3A_162 : vector<16xi1>, vector<16xi32>
          %add3A_243 = arith.addi %scan3A_202, %select_n3A_242 : vector<16xi32>
          %add3A_244 = arith.constant 48 : i32
          %add3A_245 = arith.addi %mul3A_213, %add3A_244 : i32
          %get3A_246 = arith.index_cast %add3A_192 : i32 to index
          %get3A_247 = arith.index_cast %add3A_245 : i32 to index
          %get3A_248 = tpu.vector_load %arg8[%get3A_246, %get3A_247] {strides = array<i32>} : memref<16x1024xf32, #tpu.memory_space<vmem>>, vector<1x16xf32>,
          %get3A_249 = vector.shape_cast %get3A_248 : vector<1x16xf32> to vector<16xf32>
          %gt3A_250 = arith.constant 0.000000e+00 : f32
          %gt3A_251 = vector.broadcast %gt3A_250 : f32 to vector<16xf32>
          %gt3A_252 = arith.cmpf ogt, %get3A_249, %gt3A_251 : vector<16xf32>
          %select_n3A_253 = arith.select %gt3A_252, %broadcast_in_dim3A_160, %broadcast_in_dim3A_162 : vector<16xi1>, vector<16xi32>
          %add3A_254 = arith.addi %scan3A_203, %select_n3A_253 : vector<16xi32>
          %add3A_255 = arith.constant 64 : i32
          %add3A_256 = arith.addi %mul3A_213, %add3A_255 : i32
          %get3A_257 = arith.index_cast %add3A_192 : i32 to index
          %get3A_258 = arith.index_cast %add3A_256 : i32 to index
          %get3A_259 = tpu.vector_load %arg8[%get3A_257, %get3A_258] {strides = array<i32>} : memref<16x1024xf32, #tpu.memory_space<vmem>>, vector<1x16xf32>,
          %get3A_260 = vector.shape_cast %get3A_259 : vector<1x16xf32> to vector<16xf32>
          %gt3A_261 = arith.constant 0.000000e+00 : f32
          %gt3A_262 = vector.broadcast %gt3A_261 : f32 to vector<16xf32>
          %gt3A_263 = arith.cmpf ogt, %get3A_260, %gt3A_262 : vector<16xf32>
          %select_n3A_264 = arith.select %gt3A_263, %broadcast_in_dim3A_160, %broadcast_in_dim3A_162 : vector<16xi1>, vector<16xi32>
          %add3A_265 = arith.addi %scan3A_204, %select_n3A_264 : vector<16xi32>
          %add3A_266 = arith.constant 80 : i32
          %add3A_267 = arith.addi %mul3A_213, %add3A_266 : i32
          %get3A_268 = arith.index_cast %add3A_192 : i32 to index
          %get3A_269 = arith.index_cast %add3A_267 : i32 to index
          %get3A_270 = tpu.vector_load %arg8[%get3A_268, %get3A_269] {strides = array<i32>} : memref<16x1024xf32, #tpu.memory_space<vmem>>, vector<1x16xf32>,
          %get3A_271 = vector.shape_cast %get3A_270 : vector<1x16xf32> to vector<16xf32>
          %gt3A_272 = arith.constant 0.000000e+00 : f32
          %gt3A_273 = vector.broadcast %gt3A_272 : f32 to vector<16xf32>
          %gt3A_274 = arith.cmpf ogt, %get3A_271, %gt3A_273 : vector<16xf32>
          %select_n3A_275 = arith.select %gt3A_274, %broadcast_in_dim3A_160, %broadcast_in_dim3A_162 : vector<16xi1>, vector<16xi32>
          %add3A_276 = arith.addi %scan3A_205, %select_n3A_275 : vector<16xi32>
          %add3A_277 = arith.constant 96 : i32
          %add3A_278 = arith.addi %mul3A_213, %add3A_277 : i32
          %get3A_279 = arith.index_cast %add3A_192 : i32 to index
          %get3A_280 = arith.index_cast %add3A_278 : i32 to index
          %get3A_281 = tpu.vector_load %arg8[%get3A_279, %get3A_280] {strides = array<i32>} : memref<16x1024xf32, #tpu.memory_space<vmem>>, vector<1x16xf32>,
          %get3A_282 = vector.shape_cast %get3A_281 : vector<1x16xf32> to vector<16xf32>
          %gt3A_283 = arith.constant 0.000000e+00 : f32
          %gt3A_284 = vector.broadcast %gt3A_283 : f32 to vector<16xf32>
          %gt3A_285 = arith.cmpf ogt, %get3A_282, %gt3A_284 : vector<16xf32>
          %select_n3A_286 = arith.select %gt3A_285, %broadcast_in_dim3A_160, %broadcast_in_dim3A_162 : vector<16xi1>, vector<16xi32>
          %add3A_287 = arith.addi %scan3A_206, %select_n3A_286 : vector<16xi32>
          %add3A_288 = arith.constant 112 : i32
          %add3A_289 = arith.addi %mul3A_213, %add3A_288 : i32
          %get3A_290 = arith.index_cast %add3A_192 : i32 to index
          %get3A_291 = arith.index_cast %add3A_289 : i32 to index
          %get3A_292 = tpu.vector_load %arg8[%get3A_290, %get3A_291] {strides = array<i32>} : memref<16x1024xf32, #tpu.memory_space<vmem>>, vector<1x16xf32>,
          %get3A_293 = vector.shape_cast %get3A_292 : vector<1x16xf32> to vector<16xf32>
          %gt3A_294 = arith.constant 0.000000e+00 : f32
          %gt3A_295 = vector.broadcast %gt3A_294 : f32 to vector<16xf32>
          %gt3A_296 = arith.cmpf ogt, %get3A_293, %gt3A_295 : vector<16xf32>
          %select_n3A_297 = arith.select %gt3A_296, %broadcast_in_dim3A_160, %broadcast_in_dim3A_162 : vector<16xi1>, vector<16xi32>
          %add3A_298 = arith.addi %scan3A_207, %select_n3A_297 : vector<16xi32>
          scf.yield %add3A_221, %add3A_232, %add3A_243, %add3A_254, %add3A_265, %add3A_276, %add3A_287, %add3A_298 : vector<16xi32>, vector<16xi32>, vector<16xi32>, vector<16xi32>, vector<16xi32>, vector<16xi32>, vector<16xi32>, vector<16xi32>
        }
        %scan3A_198 = arith.constant 8 : i32
        scf.yield %scan3A_197#0, %scan3A_197#1, %scan3A_197#2, %scan3A_197#3, %scan3A_197#4, %scan3A_197#5, %scan3A_197#6, %scan3A_197#7 : vector<16xi32>, vector<16xi32>, vector<16xi32>, vector<16xi32>, vector<16xi32>, vector<16xi32>, vector<16xi32>, vector<16xi32>
      }
      %scan3A_168 = arith.constant 16 : i32
      %mul3A_169 = arith.constant 2 : i32
      %mul3A_170 = arith.muli %mul3A_169, %add3A_74 : i32
      %add3A_171 = arith.constant 1 : i32
      %add3A_172 = arith.addi %mul3A_170, %add3A_171 : i32
      %add3A_173 = arith.constant 2 : i32
      %add3A_174 = arith.addi %add3A_172, %add3A_173 : i32
      %lt3A_175 = arith.constant 26 : i32
      %lt3A_176 = arith.cmpi slt, %add3A_174, %lt3A_175 : i32
      %convert_element_type3A_177 = arith.extui %lt3A_176 : i1 to i32
      %cond3A_178 = arith.constant 0 : i32
      %cond3A_179 = arith.cmpi ne, %convert_element_type3A_177, %cond3A_178 : i32
      scf.if %cond3A_179 {
        %add3A_180 = arith.constant 32 : i32
        %add3A_181 = arith.addi %add3A_129, %add3A_180 : i32
        %dma_start3A_182 = arith.constant 0 : i32
        %dma_start3A_183 = tpu.memref_slice %arg3[%add3A_181, %dma_start3A_182] : memref<32768x1024xf32, #tpu.memory_space<hbm>> -> memref<16x1024xf32, #tpu.memory_space<hbm>>
        %dma_start3A_184 = arith.constant 0 : i32
        %dma_start3A_185 = tpu.memref_slice %arg3[%add3A_181, %dma_start3A_184] : memref<32768x1024xf32, #tpu.memory_space<hbm>> -> memref<16x1024xf32, #tpu.memory_space<hbm>>
        tpu.enqueue_dma source(%dma_start3A_185 : memref<16x1024xf32, #tpu.memory_space<hbm>>) target(%arg8 : memref<16x1024xf32, #tpu.memory_space<vmem>>) target_semaphore(%arg13 : memref<!tpu.dma_semaphore, #tpu.memory_space<semaphore_mem>>)
      } else {
      }
      scf.yield %scan3A_142#0, %scan3A_142#1, %scan3A_142#2, %scan3A_142#3, %scan3A_142#4, %scan3A_142#5, %scan3A_142#6, %scan3A_142#7, %scan3A_167#0, %scan3A_167#1, %scan3A_167#2, %scan3A_167#3, %scan3A_167#4, %scan3A_167#5, %scan3A_167#6, %scan3A_167#7 : vector<16xi32>, vector<16xi32>, vector<16xi32>, vector<16xi32>, vector<16xi32>, vector<16xi32>, vector<16xi32>, vector<16xi32>, vector<16xi32>, vector<16xi32>, vector<16xi32>, vector<16xi32>, vector<16xi32>, vector<16xi32>, vector<16xi32>, vector<16xi32>
    }
    %scan3A_31 = arith.constant 13 : i32
    %add3A_32 = arith.addi %scan3A_30#0, %scan3A_30#1 : vector<16xi32>
    %add3A_33 = arith.addi %scan3A_30#8, %scan3A_30#9 : vector<16xi32>
    %add3A_34 = arith.addi %add3A_32, %scan3A_30#2 : vector<16xi32>
    %add3A_35 = arith.addi %add3A_33, %scan3A_30#10 : vector<16xi32>
    %add3A_36 = arith.addi %add3A_34, %scan3A_30#3 : vector<16xi32>
    %add3A_37 = arith.addi %add3A_35, %scan3A_30#11 : vector<16xi32>
    %add3A_38 = arith.addi %add3A_36, %scan3A_30#4 : vector<16xi32>
    %add3A_39 = arith.addi %add3A_37, %scan3A_30#12 : vector<16xi32>
    %add3A_40 = arith.addi %add3A_38, %scan3A_30#5 : vector<16xi32>
    %add3A_41 = arith.addi %add3A_39, %scan3A_30#13 : vector<16xi32>
    %add3A_42 = arith.addi %add3A_40, %scan3A_30#6 : vector<16xi32>
    %add3A_43 = arith.addi %add3A_41, %scan3A_30#14 : vector<16xi32>
    %add3A_44 = arith.addi %add3A_42, %scan3A_30#7 : vector<16xi32>
    %add3A_45 = arith.addi %add3A_43, %scan3A_30#15 : vector<16xi32>
    %swap3A = arith.constant 0 : index
    %swap3A_46 = tpu.vector_load %arg9[%swap3A] {strides = array<i32>} : memref<16xi32, #tpu.memory_space<vmem>>, vector<16xi32>,
    %swap3A_47 = vector.shape_cast %swap3A_46 : vector<16xi32> to vector<16xi32>
    %swap3A_48 = vector.shape_cast %add3A_44 : vector<16xi32> to vector<16xi32>
    tpu.vector_store %arg9[%swap3A], %swap3A_48 {strides = array<i32>} : memref<16xi32, #tpu.memory_space<vmem>>, vector<16xi32>,
    %run_scoped3A = arith.constant 0 : i32
    "tpu.region"() ({
      %run_scoped3A_54 = tpu.sem_alloc : memref<!tpu.dma_semaphore, #tpu.memory_space<semaphore_mem>>
      %dma_start3A_55 = arith.constant 0 : i32
      %dma_start3A_56 = tpu.memref_slice %arg4[%run_scoped3A, %add3A, %dma_start3A_55] : memref<2x32x16xi32, #tpu.memory_space<hbm>> -> memref<1x1x16xi32, #tpu.memory_space<hbm>>
      %dma_start3A_57 = tpu.memref_squeeze %dma_start3A_56 : memref<1x1x16xi32, #tpu.memory_space<hbm>> -> memref<16xi32, #tpu.memory_space<hbm>>
      %dma_start3A_58 = arith.constant 0 : i32
      %dma_start3A_59 = tpu.memref_slice %arg4[%run_scoped3A, %add3A, %dma_start3A_58] : memref<2x32x16xi32, #tpu.memory_space<hbm>> -> memref<1x1x16xi32, #tpu.memory_space<hbm>>
      %dma_start3A_60 = tpu.memref_squeeze %dma_start3A_59 : memref<1x1x16xi32, #tpu.memory_space<hbm>> -> memref<16xi32, #tpu.memory_space<hbm>>
      tpu.enqueue_dma source(%arg9 : memref<16xi32, #tpu.memory_space<vmem>>) target(%dma_start3A_60 : memref<16xi32, #tpu.memory_space<hbm>>) target_semaphore(%run_scoped3A_54 : memref<!tpu.dma_semaphore, #tpu.memory_space<semaphore_mem>>)
      %dma_wait3A = arith.constant 0 : i32
      %dma_wait3A_61 = tpu.memref_slice %arg4[%run_scoped3A, %add3A, %dma_wait3A] : memref<2x32x16xi32, #tpu.memory_space<hbm>> -> memref<1x1x16xi32, #tpu.memory_space<hbm>>
      %dma_wait3A_62 = tpu.memref_squeeze %dma_wait3A_61 : memref<1x1x16xi32, #tpu.memory_space<hbm>> -> memref<16xi32, #tpu.memory_space<hbm>>
      %dma_wait3A_63 = arith.constant 0 : i32
      %dma_wait3A_64 = tpu.memref_slice %arg4[%run_scoped3A, %add3A, %dma_wait3A_63] : memref<2x32x16xi32, #tpu.memory_space<hbm>> -> memref<1x1x16xi32, #tpu.memory_space<hbm>>
      %dma_wait3A_65 = tpu.memref_squeeze %dma_wait3A_64 : memref<1x1x16xi32, #tpu.memory_space<hbm>> -> memref<16xi32, #tpu.memory_space<hbm>>
      tpu.wait_dma2 semaphore(%run_scoped3A_54 : memref<!tpu.dma_semaphore, #tpu.memory_space<semaphore_mem>>) src(%arg9 : memref<16xi32, #tpu.memory_space<vmem>>) dst(%dma_wait3A_65 : memref<16xi32, #tpu.memory_space<hbm>>)
      tpu.yield
    }) : () -> ()
    %swap3A_49 = arith.constant 0 : index
    %swap3A_50 = tpu.vector_load %arg9[%swap3A_49] {strides = array<i32>} : memref<16xi32, #tpu.memory_space<vmem>>, vector<16xi32>,
    %swap3A_51 = vector.shape_cast %swap3A_50 : vector<16xi32> to vector<16xi32>
    %swap3A_52 = vector.shape_cast %add3A_45 : vector<16xi32> to vector<16xi32>
    tpu.vector_store %arg9[%swap3A_49], %swap3A_52 {strides = array<i32>} : memref<16xi32, #tpu.memory_space<vmem>>, vector<16xi32>,
    %run_scoped3A_53 = arith.constant 1 : i32
    "tpu.region"() ({
      %run_scoped3A_54 = tpu.sem_alloc : memref<!tpu.dma_semaphore, #tpu.memory_space<semaphore_mem>>
      %dma_start3A_55 = arith.constant 0 : i32
      %dma_start3A_56 = tpu.memref_slice %arg4[%run_scoped3A_53, %add3A, %dma_start3A_55] : memref<2x32x16xi32, #tpu.memory_space<hbm>> -> memref<1x1x16xi32, #tpu.memory_space<hbm>>
      %dma_start3A_57 = tpu.memref_squeeze %dma_start3A_56 : memref<1x1x16xi32, #tpu.memory_space<hbm>> -> memref<16xi32, #tpu.memory_space<hbm>>
      %dma_start3A_58 = arith.constant 0 : i32
      %dma_start3A_59 = tpu.memref_slice %arg4[%run_scoped3A_53, %add3A, %dma_start3A_58] : memref<2x32x16xi32, #tpu.memory_space<hbm>> -> memref<1x1x16xi32, #tpu.memory_space<hbm>>
      %dma_start3A_60 = tpu.memref_squeeze %dma_start3A_59 : memref<1x1x16xi32, #tpu.memory_space<hbm>> -> memref<16xi32, #tpu.memory_space<hbm>>
      tpu.enqueue_dma source(%arg9 : memref<16xi32, #tpu.memory_space<vmem>>) target(%dma_start3A_60 : memref<16xi32, #tpu.memory_space<hbm>>) target_semaphore(%run_scoped3A_54 : memref<!tpu.dma_semaphore, #tpu.memory_space<semaphore_mem>>)
      %dma_wait3A = arith.constant 0 : i32
      %dma_wait3A_61 = tpu.memref_slice %arg4[%run_scoped3A_53, %add3A, %dma_wait3A] : memref<2x32x16xi32, #tpu.memory_space<hbm>> -> memref<1x1x16xi32, #tpu.memory_space<hbm>>
      %dma_wait3A_62 = tpu.memref_squeeze %dma_wait3A_61 : memref<1x1x16xi32, #tpu.memory_space<hbm>> -> memref<16xi32, #tpu.memory_space<hbm>>
      %dma_wait3A_63 = arith.constant 0 : i32
      %dma_wait3A_64 = tpu.memref_slice %arg4[%run_scoped3A_53, %add3A, %dma_wait3A_63] : memref<2x32x16xi32, #tpu.memory_space<hbm>> -> memref<1x1x16xi32, #tpu.memory_space<hbm>>
      %dma_wait3A_65 = tpu.memref_squeeze %dma_wait3A_64 : memref<1x1x16xi32, #tpu.memory_space<hbm>> -> memref<16xi32, #tpu.memory_space<hbm>>
      tpu.wait_dma2 semaphore(%run_scoped3A_54 : memref<!tpu.dma_semaphore, #tpu.memory_space<semaphore_mem>>) src(%arg9 : memref<16xi32, #tpu.memory_space<vmem>>) dst(%dma_wait3A_65 : memref<16xi32, #tpu.memory_space<hbm>>)
      tpu.yield
    }) : () -> ()
    return
  }
}

module attributes {stable_mosaic.version = 14 : i64} {
  func.func @_fin_body(%arg0: i32, %arg1: memref<2x32x16xi32, #tpu.memory_space<vmem>>, %arg2: memref<8x128xi32, #tpu.memory_space<vmem>>, %arg3: memref<1x1xi32, #tpu.memory_space<smem>>) attributes {dimension_semantics = [#tpu.dimension_semantics<arbitrary>], iteration_bounds = array<i64: 1>, scalar_prefetch = 0 : i64, scratch_operands = 0 : i64, tpu.core_type = #tpu.core_type<tc>, window_params = [{pipeline_mode = #tpu.pipeline_mode<synchronous>, transform_indices = @transform_0, window_bounds = array<i64: 2, 32, 16>}, {pipeline_mode = #tpu.pipeline_mode<synchronous>, transform_indices = @transform_1, window_bounds = array<i64: 8, 128>}, {transform_indices = @transform_2, window_bounds = array<i64: 1, 1>}]} {
    %get3A = arith.constant 0 : index
    %get3A_0 = arith.constant 0 : index
    %get3A_1 = arith.constant 0 : index
    %get3A_2 = vector.load %arg1[%get3A, %get3A_0, %get3A_1] : memref<2x32x16xi32, #tpu.memory_space<vmem>>, vector<1x32x16xi32>
    %get3A_3 = vector.shape_cast %get3A_2 : vector<1x32x16xi32> to vector<32x16xi32>
    %reduce_sum3A = vector.shape_cast %get3A_3 : vector<32x16xi32> to vector<1x32x16xi32>
    %reduce_sum3A_4 = arith.constant dense<0> : vector<1xi32>
    %reduce_sum3A_5 = vector.multi_reduction <add>, %reduce_sum3A, %reduce_sum3A_4 [1, 2] : vector<1x32x16xi32> to vector<1xi32>
    %reduce_sum3A_6 = vector.shape_cast %reduce_sum3A_5 : vector<1xi32> to vector<1x1x1xi32>
    %reduce_sum3A_7 = vector.extract %reduce_sum3A_6[0, 0, 0] : i32 from vector<1x1x1xi32>
    %get3A_8 = arith.constant 1 : index
    %get3A_9 = arith.constant 0 : index
    %get3A_10 = arith.constant 0 : index
    %get3A_11 = vector.load %arg1[%get3A_8, %get3A_9, %get3A_10] : memref<2x32x16xi32, #tpu.memory_space<vmem>>, vector<1x32x16xi32>
    %get3A_12 = vector.shape_cast %get3A_11 : vector<1x32x16xi32> to vector<32x16xi32>
    %reduce_sum3A_13 = vector.shape_cast %get3A_12 : vector<32x16xi32> to vector<1x32x16xi32>
    %reduce_sum3A_14 = arith.constant dense<0> : vector<1xi32>
    %reduce_sum3A_15 = vector.multi_reduction <add>, %reduce_sum3A_13, %reduce_sum3A_14 [1, 2] : vector<1x32x16xi32> to vector<1xi32>
    %reduce_sum3A_16 = vector.shape_cast %reduce_sum3A_15 : vector<1xi32> to vector<1x1x1xi32>
    %reduce_sum3A_17 = vector.extract %reduce_sum3A_16[0, 0, 0] : i32 from vector<1x1x1xi32>
    %get3A_18 = arith.constant 0 : index
    %get3A_19 = arith.constant 0 : index
    %get3A_20 = vector.load %arg2[%get3A_18, %get3A_19] : memref<8x128xi32, #tpu.memory_space<vmem>>, vector<1x128xi32>
    %get3A_21 = vector.shape_cast %get3A_20 : vector<1x128xi32> to vector<128xi32>
    %reduce_max3A = vector.shape_cast %get3A_21 : vector<128xi32> to vector<1x128xi32>
    %reduce_max3A_22 = arith.constant dense<-2147483648> : vector<1xi32>
    %reduce_max3A_23 = vector.multi_reduction <maxsi>, %reduce_max3A, %reduce_max3A_22 [1] : vector<1x128xi32> to vector<1xi32>
    %reduce_max3A_24 = vector.shape_cast %reduce_max3A_23 : vector<1xi32> to vector<1x1xi32>
    %reduce_max3A_25 = vector.extract %reduce_max3A_24[0, 0] : i32 from vector<1x1xi32>
    %get3A_26 = arith.constant 1 : index
    %get3A_27 = arith.constant 0 : index
    %get3A_28 = vector.load %arg2[%get3A_26, %get3A_27] : memref<8x128xi32, #tpu.memory_space<vmem>>, vector<1x128xi32>
    %get3A_29 = vector.shape_cast %get3A_28 : vector<1x128xi32> to vector<128xi32>
    %reduce_max3A_30 = vector.shape_cast %get3A_29 : vector<128xi32> to vector<1x128xi32>
    %reduce_max3A_31 = arith.constant dense<-2147483648> : vector<1xi32>
    %reduce_max3A_32 = vector.multi_reduction <maxsi>, %reduce_max3A_30, %reduce_max3A_31 [1] : vector<1x128xi32> to vector<1xi32>
    %reduce_max3A_33 = vector.shape_cast %reduce_max3A_32 : vector<1xi32> to vector<1x1xi32>
    %reduce_max3A_34 = vector.extract %reduce_max3A_33[0, 0] : i32 from vector<1x1xi32>
    %add3A = arith.addi %reduce_sum3A_7, %reduce_max3A_25 : i32
    %add3A_35 = arith.addi %reduce_sum3A_17, %reduce_max3A_34 : i32
    %max3A = arith.maxsi %add3A, %add3A_35 : i32
    %swap3A = arith.constant 0 : index
    %swap3A_36 = arith.constant 0 : index
    %swap3A_37 = memref.load %arg3[%swap3A, %swap3A_36] : memref<1x1xi32, #tpu.memory_space<smem>>
    memref.store %max3A, %arg3[%swap3A, %swap3A_36] : memref<1x1xi32, #tpu.memory_space<smem>>
    return
  }
  func.func @transform_0(%arg0: i32) -> (i32, i32, i32) {
    %c0_i32 = arith.constant 0 : i32
    %c0_i32_0 = arith.constant 0 : i32
    %c0_i32_1 = arith.constant 0 : i32
    %c0_i32_2 = arith.constant 0 : i32
    return %c0_i32, %c0_i32_0, %c0_i32_1 : i32, i32, i32
  }
  func.func @transform_1(%arg0: i32) -> (i32, i32) {
    %c0_i32 = arith.constant 0 : i32
    %c0_i32_0 = arith.constant 0 : i32
    %c0_i32_1 = arith.constant 0 : i32
    return %c0_i32, %c0_i32_0 : i32, i32
  }
  func.func @transform_2(%arg0: i32) -> (i32, i32) {
    %c0_i32 = arith.constant 0 : i32
    %c0_i32_0 = arith.constant 0 : i32
    %c0_i32_1 = arith.constant 0 : i32
    return %c0_i32, %c0_i32_0 : i32, i32
  }
}

module attributes {stable_mosaic.version = 14 : i64} {
  func.func @_tc_body(%arg0: i32, %arg1: memref<1024x1024xf32, #tpu.memory_space<vmem>>, %arg2: memref<1024x1024xf32, #tpu.memory_space<vmem>>, %arg3: memref<8x128xi32, #tpu.memory_space<vmem>>, %arg4: memref<2xi32, #tpu.memory_space<smem>>) attributes {dimension_semantics = [#tpu.dimension_semantics<arbitrary>], iteration_bounds = array<i64: 19>, scalar_prefetch = 0 : i64, scratch_operands = 1 : i64, tpu.core_type = #tpu.core_type<tc>, window_params = [{transform_indices = @transform_0, window_bounds = array<i64: 1024, 1024>}, {transform_indices = @transform_1, window_bounds = array<i64: 1024, 1024>}, {pipeline_mode = #tpu.pipeline_mode<synchronous>, transform_indices = @transform_2, window_bounds = array<i64: 8, 128>}]} {
    %eq3A = arith.constant 0 : i32
    %eq3A_0 = arith.cmpi eq, %arg0, %eq3A : i32
    %convert_element_type3A = arith.extui %eq3A_0 : i1 to i32
    %cond3A = arith.constant 0 : i32
    %cond3A_1 = arith.cmpi ne, %convert_element_type3A, %cond3A : i32
    scf.if %cond3A_1 {
      %swap3A_36 = arith.constant 0 : i32
      %swap3A_37 = arith.constant 0 : index
      %swap3A_38 = memref.load %arg4[%swap3A_37] : memref<2xi32, #tpu.memory_space<smem>>
      memref.store %swap3A_36, %arg4[%swap3A_37] : memref<2xi32, #tpu.memory_space<smem>>
      %swap3A_39 = arith.constant 0 : i32
      %swap3A_40 = arith.constant 1 : index
      %swap3A_41 = memref.load %arg4[%swap3A_40] : memref<2xi32, #tpu.memory_space<smem>>
      memref.store %swap3A_39, %arg4[%swap3A_40] : memref<2xi32, #tpu.memory_space<smem>>
    } else {
    }
    %get3A = arith.constant 0 : index
    %get3A_2 = memref.load %arg4[%get3A] : memref<2xi32, #tpu.memory_space<smem>>
    %get3A_3 = arith.constant 0 : index
    %get3A_4 = arith.constant 0 : index
    %get3A_5 = vector.load %arg1[%get3A_3, %get3A_4] : memref<1024x1024xf32, #tpu.memory_space<vmem>>, vector<1024x1024xf32>
    %gt3A = arith.constant 0.000000e+00 : f32
    %gt3A_6 = vector.broadcast %gt3A : f32 to vector<1024x1024xf32>
    %gt3A_7 = arith.cmpf ogt, %get3A_5, %gt3A_6 : vector<1024x1024xf32>
    %convert_element_type3A_8 = arith.extui %gt3A_7 : vector<1024x1024xi1> to vector<1024x1024xi32>
    %reduce_sum3A = vector.shape_cast %convert_element_type3A_8 : vector<1024x1024xi32> to vector<1x1024x1024xi32>
    %reduce_sum3A_9 = arith.constant dense<0> : vector<1xi32>
    %reduce_sum3A_10 = vector.multi_reduction <add>, %reduce_sum3A, %reduce_sum3A_9 [1, 2] : vector<1x1024x1024xi32> to vector<1xi32>
    %reduce_sum3A_11 = vector.shape_cast %reduce_sum3A_10 : vector<1xi32> to vector<1x1x1xi32>
    %reduce_sum3A_12 = vector.extract %reduce_sum3A_11[0, 0, 0] : i32 from vector<1x1x1xi32>
    %add3A = arith.addi %get3A_2, %reduce_sum3A_12 : i32
    %swap3A = arith.constant 0 : index
    %swap3A_13 = memref.load %arg4[%swap3A] : memref<2xi32, #tpu.memory_space<smem>>
    memref.store %add3A, %arg4[%swap3A] : memref<2xi32, #tpu.memory_space<smem>>
    %get3A_14 = arith.constant 1 : index
    %get3A_15 = memref.load %arg4[%get3A_14] : memref<2xi32, #tpu.memory_space<smem>>
    %get3A_16 = arith.constant 0 : index
    %get3A_17 = arith.constant 0 : index
    %get3A_18 = vector.load %arg2[%get3A_16, %get3A_17] : memref<1024x1024xf32, #tpu.memory_space<vmem>>, vector<1024x1024xf32>
    %gt3A_19 = arith.constant 0.000000e+00 : f32
    %gt3A_20 = vector.broadcast %gt3A_19 : f32 to vector<1024x1024xf32>
    %gt3A_21 = arith.cmpf ogt, %get3A_18, %gt3A_20 : vector<1024x1024xf32>
    %convert_element_type3A_22 = arith.extui %gt3A_21 : vector<1024x1024xi1> to vector<1024x1024xi32>
    %reduce_sum3A_23 = vector.shape_cast %convert_element_type3A_22 : vector<1024x1024xi32> to vector<1x1024x1024xi32>
    %reduce_sum3A_24 = arith.constant dense<0> : vector<1xi32>
    %reduce_sum3A_25 = vector.multi_reduction <add>, %reduce_sum3A_23, %reduce_sum3A_24 [1, 2] : vector<1x1024x1024xi32> to vector<1xi32>
    %reduce_sum3A_26 = vector.shape_cast %reduce_sum3A_25 : vector<1xi32> to vector<1x1x1xi32>
    %reduce_sum3A_27 = vector.extract %reduce_sum3A_26[0, 0, 0] : i32 from vector<1x1x1xi32>
    %add3A_28 = arith.addi %get3A_15, %reduce_sum3A_27 : i32
    %swap3A_29 = arith.constant 1 : index
    %swap3A_30 = memref.load %arg4[%swap3A_29] : memref<2xi32, #tpu.memory_space<smem>>
    memref.store %add3A_28, %arg4[%swap3A_29] : memref<2xi32, #tpu.memory_space<smem>>
    %eq3A_31 = arith.constant 18 : i32
    %eq3A_32 = arith.cmpi eq, %arg0, %eq3A_31 : i32
    %convert_element_type3A_33 = arith.extui %eq3A_32 : i1 to i32
    %cond3A_34 = arith.constant 0 : i32
    %cond3A_35 = arith.cmpi ne, %convert_element_type3A_33, %cond3A_34 : i32
    scf.if %cond3A_35 {
      %iota3A = tpu.iota {dimensions = array<i32: 0>} : vector<8x128xi32>
      %eq3A_36 = arith.constant 0 : i32
      %eq3A_37 = vector.broadcast %eq3A_36 : i32 to vector<8x128xi32>
      %eq3A_38 = arith.cmpi eq, %iota3A, %eq3A_37 : vector<8x128xi32>
      %get3A_39 = arith.constant 0 : index
      %get3A_40 = memref.load %arg4[%get3A_39] : memref<2xi32, #tpu.memory_space<smem>>
      %eq3A_41 = arith.constant 1 : i32
      %eq3A_42 = vector.broadcast %eq3A_41 : i32 to vector<8x128xi32>
      %eq3A_43 = arith.cmpi eq, %iota3A, %eq3A_42 : vector<8x128xi32>
      %get3A_44 = arith.constant 1 : index
      %get3A_45 = memref.load %arg4[%get3A_44] : memref<2xi32, #tpu.memory_space<smem>>
      %jit3A = arith.constant 0 : i32
      %broadcast_in_dim3A = vector.broadcast %get3A_45 : i32 to vector<8x128xi32>
      %broadcast_in_dim3A_46 = vector.broadcast %jit3A : i32 to vector<8x128xi32>
      %select_n3A = arith.select %eq3A_43, %broadcast_in_dim3A, %broadcast_in_dim3A_46 : vector<8x128xi1>, vector<8x128xi32>
      %broadcast_in_dim3A_47 = vector.broadcast %get3A_40 : i32 to vector<8x128xi32>
      %select_n3A_48 = arith.select %eq3A_38, %broadcast_in_dim3A_47, %select_n3A : vector<8x128xi1>, vector<8x128xi32>
      %swap3A_49 = arith.constant 0 : index
      %swap3A_50 = arith.constant 0 : index
      %swap3A_51 = vector.load %arg3[%swap3A_49, %swap3A_50] : memref<8x128xi32, #tpu.memory_space<vmem>>, vector<8x128xi32>
      tpu.vector_store %arg3[%swap3A_49, %swap3A_50], %select_n3A_48 {strides = array<i32>} : memref<8x128xi32, #tpu.memory_space<vmem>>, vector<8x128xi32>,
    } else {
    }
    return
  }
  func.func @transform_0(%arg0: i32) -> (i32, i32) {
    %add3A = arith.constant 13 : i32
    %add3A_0 = arith.addi %add3A, %arg0 : i32
    %c0_i32 = arith.constant 0 : i32
    %c0_i32_1 = arith.constant 0 : i32
    return %add3A_0, %c0_i32 : i32, i32
  }
  func.func @transform_1(%arg0: i32) -> (i32, i32) {
    %add3A = arith.constant 13 : i32
    %add3A_0 = arith.addi %add3A, %arg0 : i32
    %c0_i32 = arith.constant 0 : i32
    %c0_i32_1 = arith.constant 0 : i32
    return %add3A_0, %c0_i32 : i32, i32
  }
  func.func @transform_2(%arg0: i32) -> (i32, i32) {
    %c0_i32 = arith.constant 0 : i32
    %c0_i32_0 = arith.constant 0 : i32
    %c0_i32_1 = arith.constant 0 : i32
    return %c0_i32, %c0_i32_0 : i32, i32
  }
}

</mosaic_0001>

<sc_bundles>
// kernel: kernel.5.cloned.1.call-start
scs
__scs_entry_jumppad:
0x0: {  	(pc) =	sbr.rel $0x88, $3  }
0x1: {  	(tag) =	ssettag $0x0;
	lr =	simm.s32 $0x1  }
0x2: {  	[smem:$0x3F9F] =	sst lr;
	_ =	strace $0xD0000000  }
0x3: {  	_ = 	snop  }
0x4: {  	_ = 	snop  }
0x5: {  	_ = 	snop  }
0x6: {  	_ = 	snop  }
0x7: {  	_ = 	snop  }
__scs_overlays_trampoline_lowered:
0x8: {  	[smem:$0x3FAE] =	sst s0  }
0x9: {  	[smem:$0x3FAF] =	sst s1  }
0xa: {  	[smem:$0x3FB0] =	sst s2  }
0xb: {  	[smem:$0x3FB1] =	sst s3  }
0xc: {  	[smem:$0x3FB2] =	sst s4  }
0xd: {  	[smem:$0x3FB3] =	sst s5  }
0xe: {  	[smem:$0x3FB4] =	sst s6  }
0xf: {  	[smem:$0x3FB5] =	sst s7  }
0x10: {  	[smem:$0x3FB6] =	sst s8  }
0x11: {  	[smem:$0x3FB7] =	sst s9;
	s0 =	simm.s32 @!p0 $0x0  }
0x12: {  	s1 =	sld [smem:$0x3F9D];
	s0 =	simm.s32 @p0 $0x1  }
0x13: {  	[smem:$0x3FB8] =	sst s0;
	s0 =	simm.s32 @!p1 $0x0  }
0x14: {  	s2 =	sld [smem:$0x3F9C];
	s0 =	simm.s32 @p1 $0x1  }
0x15: {  	[smem:$0x3FB9] =	sst s0;
	s0 =	simm.s32 @!p2 $0x0  }
0x16: {  	s3 =	sld [smem:$0x3FDB];
	s0 =	simm.s32 @p2 $0x1  }
0x17: {  	s4 =	simm.s32 $0x1BF5;
	[smem:$0x3FBB] =	sst s0  }
0x18: {  	s0 =	sld [smem:$0x3F9E];
	_ =	swait.ge [sflag:s4], $0x0  }
0x19: {  	s7 =	sld [smem:$0x3F9F]  }
0x1a: {  	s8 =	sadd.s32 $0xFFFFE003, lr  }
0x1b: {  	s9 =	sadd.s32 $0xFFFFFEF7, lr;
	s5 =	simm.s32 $0xFFFFFFFF;
	p2 =	slt.u32 s8, $0xFFFFF086  }
0x1c: {  	p1 =	slt.u32 s9, $0xF7A;
	s5 =	simm.s32 @!p2 $0x0  }
0x1d: {  	s5 =	simm.s32 @p1 $0x1;
	p0 =	seq.s32 s7, s2  }
0x1e: {  	s7 =	smul.u32 @!p0 $0xF7A, s2;
	p2 =	seq.s32 @!p0 s5, $0x0  }
0x1f: {  	s9 =	smul.u32 $0xF7A, s1;
	s8 =	simm.s32 @!p0 $0x1BF5;
	p2 =	por !p2, p0  }
0x20: {  	[sflag:s8] =	ssyncset.s32 @!p0 $0xFFFFF086;
	s6 =	sadd.s32 @!p0 s3, s7;
	s7 =	simm.s32 @!p0 $0x108  }
0x21: {  	s3 =	sadd.s32 s3, s9;
	s6 =	sadd.s32 @!p0 $0x88, s6;
	s7 =	simm.s32 @p2 $0x1082  }
0x22: {  	[simem:s7], [sflag:s8] =	dma.local @!p0 [hbm:s6], $0xF7A  }
0x23: {  	s9 =	sor.u32 $0xD0000000, s2;
	s6 =	simm.s32 $0x108;
	_ =	swait.ge @!p0 [sflag:s8], $0x0  }
0x24: {  	s3 =	sadd.s32 $0x88, s3;
	s6 =	simm.s32 @!p1 $0x1082;
	[sflag:s4] =	ssyncset.s32 $0xFFFFF086  }
0x25: {  	[simem:s6], [sflag:s4] =	dma.local [hbm:s3], $0xF7A  }
0x26: {  	[smem:$0x3F9F] =	sst s1;
	(tag) =	ssettag s2;
	_ =	strace s9  }
0x27: {  	s1 =	sld [smem:$0x3FAF]  }
0x28: {  	s2 =	sld [smem:$0x3FB0]  }
0x29: {  	s4 =	sld [smem:$0x3FB2]  }
0x2a: {  	p0 =	seq.s32 s5, $0x0;
	s5 =	sld [smem:$0x3FB3]  }
0x2b: {  	s6 =	sld [smem:$0x3FB4]  }
0x2c: {  	s7 =	sld [smem:$0x3FB5]  }
0x2d: {  	s3 =	simm.s32 $0x108;
	s8 =	sld [smem:$0x3FB6]  }
0x2e: {  	s3 =	simm.s32 @!p0 $0x1082;
	s9 =	sld [smem:$0x3FB7]  }
0x2f: {  	lr =	sadd.s32 s0, s3;
	s0 =	sld [smem:$0x3FAE]  }
0x30: {  	s3 =	sld [smem:$0x3FB1]  }
0x31: {  	[smem:$0x3FBA] =	sst s10  }
0x32: {  	s10 =	sld [smem:$0x3FB8];
	_ =	sdelay $0x3  }
0x33: {  	p0 =	seq.s32 s10, $0x1;
	s10 =	sld [smem:$0x3FBA];
	_ =	sdelay $0x3  }
0x34: {  	[smem:$0x3FBA] =	sst s10  }
0x35: {  	s10 =	sld [smem:$0x3FB9];
	_ =	sdelay $0x3  }
0x36: {  	p1 =	seq.s32 s10, $0x1;
	s10 =	sld [smem:$0x3FBA];
	_ =	sdelay $0x3  }
0x37: {  	[smem:$0x3FBA] =	sst s10  }
0x38: {  	s10 =	sld [smem:$0x3FBB]  }
0x39: {  	_ = 	snop;
	(pc) =	sbr.ind lr, $3  }
0x3a: {  	_ = 	snop  }
0x3b: {  	_ = 	snop  }
0x3c: {  	p2 =	seq.s32 s10, $0x1;
	s10 =	sld [smem:$0x3FBA]  }
0x3d: {  	_ =	shalt  }
0x3e: {  	_ =	shalt  }
0x3f: {  	_ =	shalt  }
0x40: {  	_ =	shalt  }
0x41: {  	_ =	shalt  }
0x42: {  	_ =	shalt  }
0x43: {  	_ =	shalt  }
0x44: {  	_ =	shalt  }
0x45: {  	_ =	shalt  }
0x46: {  	_ =	shalt  }
0x47: {  	_ =	shalt  }
0x48: {  	_ =	shalt  }
0x49: {  	_ =	shalt  }
0x4a: {  	_ =	shalt  }
0x4b: {  	_ =	shalt  }
0x4c: {  	_ =	shalt  }
0x4d: {  	_ =	shalt  }
0x4e: {  	_ =	shalt  }
0x4f: {  	_ =	shalt  }
0x50: {  	_ =	shalt  }
0x51: {  	_ =	shalt  }
0x52: {  	_ =	shalt  }
0x53: {  	_ =	shalt  }
0x54: {  	_ =	shalt  }
0x55: {  	_ =	shalt  }
0x56: {  	_ =	shalt  }
0x57: {  	_ =	shalt  }
0x58: {  	_ =	shalt  }
0x59: {  	_ =	shalt  }
0x5a: {  	_ =	shalt  }
0x5b: {  	_ =	shalt  }
0x5c: {  	_ =	shalt  }
0x5d: {  	_ =	shalt  }
0x5e: {  	_ =	shalt  }
0x5f: {  	_ =	shalt  }
0x60: {  	_ =	shalt  }
0x61: {  	_ =	shalt  }
0x62: {  	_ =	shalt  }
0x63: {  	_ =	shalt  }
0x64: {  	_ =	shalt  }
0x65: {  	_ =	shalt  }
0x66: {  	_ =	shalt  }
0x67: {  	_ =	shalt  }
0x68: {  	_ =	shalt  }
0x69: {  	_ =	shalt  }
0x6a: {  	_ =	shalt  }
0x6b: {  	_ =	shalt  }
0x6c: {  	_ =	shalt  }
0x6d: {  	_ =	shalt  }
0x6e: {  	_ =	shalt  }
0x6f: {  	_ =	shalt  }
0x70: {  	_ =	shalt  }
0x71: {  	_ =	shalt  }
0x72: {  	_ =	shalt  }
0x73: {  	_ =	shalt  }
0x74: {  	_ =	shalt  }
0x75: {  	_ =	shalt  }
0x76: {  	_ =	shalt  }
0x77: {  	_ =	shalt  }
0x78: {  	_ =	shalt  }
0x79: {  	_ =	shalt  }
0x7a: {  	_ =	shalt  }
0x7b: {  	_ =	shalt  }
0x7c: {  	_ =	shalt  }
0x7d: {  	_ =	shalt  }
0x7e: {  	_ =	shalt  }
0x7f: {  	_ =	shalt  }
0x80: {  	_ =	shalt  }
0x81: {  	_ =	shalt  }
0x82: {  	_ =	shalt  }
0x83: {  	_ =	shalt  }
0x84: {  	_ =	shalt  }
0x85: {  	_ =	shalt  }
0x86: {  	_ =	shalt  }
0x87: {  	_ =	shalt  }
.Lfunc_end0:
.L_simem_size_0:
called_computation_lowered:
.L_overlay_start_0:
0x88: {  	s2 =	sld [smem:$0x3FD9]  }
0x89: {  	s3 =	sld [smem:$0x3FFE];
	_ =	sdelay $0x1  }
0x8a: {  	s1 =	srdreg.scid  }
0x8b: {  	s0 =	sand.u32 $0x1, s1  }
0x8c: {  	s17 =	sshll.u32 s0, $0xA;
	s2 =	sadd.s32 s3, s2  }
0x8d: {  	s2 =	sadd.s32 s2, s17  }
0x8e: {  	[smem:$0x3FC6] =	sst s2  }
0x8f: {  	_ = 	snop  }
0x90: {  	s2 =	sld [smem:$0x3FC9]  }
0x91: {  	s18 =	sld [smem:$0x3FC8];
	(tm) =	ssettm $0x1  }
0x92: {  	s4 =	sld [smem:$0x3FFB];
	_ =	sdelay $0x3  }
0x93: {  	_ =	strace s4  }
0x94: {  	s4 =	sld [smem:$0x3FFC];
	_ =	sdelay $0x3  }
0x95: {  	_ =	strace s4  }
0x96: {  	s4 =	sld [smem:$0x3FFD];
	_ =	sdelay $0x3  }
0x97: {  	_ =	strace s4  }
0x98: {  	_ =	strace $0x8FFFFFFF  }
0x99: {  	s19 =	sld [smem:$0x3FDB];
	_ =	sdelay $0x1  }
0x9a: {  	s5 =	simm.s32 $_scs_section_size  }
0x9b: {  	s6 =	simm.s32 $_size__tile_overlayer_lowered;
	s7 =	simm.s32 $_tile_overlayer_lowered  }
0x9c: {  	s22 =	simm.s32 $0x1BFF;
	s21 =	sshll.u32 s7, $0x1;
	s4 =	sadd.s32 s5, s19  }
0x9d: {  	s8 =	simm.s32 $0x0;
	s20 =	sshll.u32 s6, $0x1;
	s6 =	sadd.s32 s21, s4  }
0x9e: {  	[timem:s8], [sflag:s22] =	dma.local [hbm:s6], s20  }
0x9f: {  	_ =	swait.ge [sflag:s22], s20  }
0xa0: {  	s5 =	ssub.s32 $0x0, s20;
	[sflag:s22] =	ssyncset.done $0x0  }
0xa1: {  	[sflag:s22] =	ssyncadd.s32 s5;
	_ =	sdelay $0x1  }
0xa2: {  	s23 =	simm.s32 $0x1B8B  }
0xa3: {  	_ =	swait.ge [sflag:s23], $0x1  }
0xa4: {  	[sflag:s23] =	ssyncset.done $0x0  }
0xa5: {  	s25 =	simm.s32 $0x1B8E;
	s24 =	sld [smem:$0x3FFE];
	[sflag:s23] =	ssyncadd.s32 $0xFFFFFFFF  }
0xa6: {  	s26 =	simm.s32 $execute0_lowered;
	[smem:$0x3FD2] =	sst s25  }
0xa7: {  	s6 =	sshll.u32 s26, $0x1;
	_ =	strace $0x80000046;
	[dreg:$0x1] =	wrdreg $0xFFFFFFFF  }
0xa8: {  	s28 =	simm.s32 $_size_execute0_lowered;
	s4 =	sadd.s32 s4, s6;
	[dreg:$0x0] =	wrdreg $0x0  }
0xa9: {  	s6 =	sshll.u32 s28, $0x1;
	[dreg:$0x2] =	wrdreg s4  }
0xaa: {  	[dreg:$0x3] =	wrdreg s6  }
0xab: {  	[dreg:$0x4] =	wrdreg $0xC0  }
0xac: {  	_ =	task [dreg:s8], $0x5FFFF  }
0xad: {  	[dreg:$0x1] =	wrdreg $0xFFFFFFFF  }
0xae: {  	[dreg:$0x0] =	wrdreg $0x60  }
0xaf: {  	[dreg:$0x2] =	wrdreg s2  }
0xb0: {  	[dreg:$0x3] =	wrdreg s18  }
0xb1: {  	[dreg:$0x4] =	wrdreg s24  }
0xb2: {  	[dreg:$0x5] =	wrdreg $0x9  }
0xb3: {  	_ =	task.clear_ibuf [dreg:s8], $0x6FFFF;
	_ =	strace $0x90000046  }
0xb4: {  	s29 =	simm.s32 $0x9;
	_ =	strace $0x80000048  }
0xb5: {  	_ =	swait.ge [sflag:s29], $0x1  }
0xb6: {  	[sflag:s29] =	ssyncadd.s32 $0xFFFFFFFF  }
0xb7: {  	_ =	strace $0x90000048  }
0xb8: {  	_ =	sfence  }
0xb9: {  	s30 =	sld [smem:$0x0];
	_ =	sdelay $0x2  }
0xba: {  	s31 =	sshll.u32 s1, $0xD;
	s1 =	sshrl.u32 s1, $0x2  }
0xbb: {  	s3 =	sand.u32 $0x4000, s31;
	s1 =	sadd.s32 s1, s30  }
0xbc: {  	s0 =	sor.u32 s3, s0;
	s1 =	sshll.u32 s1, $0x11  }
0xbd: {  	s0 =	sor.u32 s1, s0  }
0xbe: {  	s0 =	sadd.s32 $0x8F2B, s0  }
0xbf: {  	[sflag:s0] =	ssyncadd.remote.s32 $0x1  }
0xc0: {  	_ =	sfence.sel $0xFFFF  }
0xc1: {  	[dreg:$0x0] =	wrdreg $0xFFFFFFFF;
	(pc) =	sbr.abs _section_cstart, $3  }
0xc2: {  	[dreg:$0x1] =	wrdreg $0xFFFFFFFF  }
0xc3: {  	_ =	task.clear_ibuf [dreg:s8], $0x2FFFF;
	_ =	strace $0x9FFFFFFF  }
0xc4: {  	(tm) =	ssettm $0x7FFFFFFF  }
0xc5: {  	_ =	shalt  }
tec
execute0_lowered:
.L_overlay_start_1:
0x0: {  	(tag) =	ssettag $0x1  }
0x1: {  	s0 =	rddreg [dreg:$0x0]  }
0x2: {  	s1 =	rddreg [dreg:$0x1]  }
0x3: {  	s3 =	rddreg [dreg:$0x2];
	s4 =	srdreg.scid  }
0x4: {  	s5 =	stileid.u32;
	s2 =	simm.s32 $0x0;
	s16 =	simm.s32 $0x4000  }
0x5: {  	s17 =	simm.s32 $0xC000;
	s18 =	simm.s32 $0x1;
	s19 =	simm.s32 $0x3  }
0x6: {  	s20 =	simm.s32 $0x2;
	s21 =	simm.s32 $0x4;
	s22 =	simm.s32 $0x10000  }
0x7: {  	s23 =	simm.s32 $0x5;
	s24 =	simm.s32 $0x0;
	s4 =	sand.u32 $0x1, s4  }
0x8: {  	s5 =	sshll.u32 s5, $0x1;
	[smem:$0x7FF] =	sst s2;
	s9 =	sadd.s32 $0x1000, s1  }
0x9: {  	s10 =	sadd.s32 $0x1800, s0;
	s11 =	sadd.s32 $0x1800, s1;
	s5 =	sor.u32 s4, s5  }
0xa: {  	s4 =	ssub.s32 $0x2, s4;
	_ =	strace $0x80000047;
	s7 =	smul.u32 $0xD000, s5  }
.Ltmp0:
0xb: {  	s6 =	sshll.u32 s5, $0x4;
	s31 =	sshrl.u32 s4, $0x1;
	(pc) =	sbr.rel .LBB2_1-.Ltmp0, $4  }
0xc: {  	s13 =	sadd.s32 s6, s3;
	s14 =	ssub.s32 s4, s31;
	s3 =	smul.u32 $0x1A0, s5  }
0xd: {  	s8 =	sor.u32 $0x800, s7;
	s4 =	sadd.s32 s0, s7;
	s5 =	sadd.s32 s1, s7  }
0xe: {  	s12 =	sadd.s32 $0x600, s13;
	s13 =	sadd.s32 $0x800, s13;
	s14 =	smax.u32 s14, $0x1  }
0xf: {  	v0 =	vimm.s32 $0x0;
	s6 =	sadd.s32 s0, s8;
	s7 =	sadd.s32 s1, s8;
	s8 =	sadd.s32 $0x1000, s0  }
.LBB2_20:
0x10: {  	v15 =	vadd.s32 v16, v15  }
0x11: {  	v12 =	vadd.s32 v12, v15  }
0x12: {  	v12 =	vadd.s32 v14, v12  }
0x13: {  	v12 =	vadd.s32 v13, v12  }
0x14: {  	v9 =	vadd.s32 v9, v12  }
0x15: {  	v8 =	vadd.s32 v10, v8;
	v4 =	vadd.s32 v4, v9  }
0x16: {  	v5 =	vadd.s32 v5, v8;
	v4 =	vadd.s32 v11, v4  }
0x17: {  	v63 =	vadd.s32 v7, v5;
	[tilespmem:$0x10000] =	vst v4  }
0x18: {  	v4 =	vadd.s32 v6, v63;
	[hbm4b:s12+s2] =	stream.linear.scatter [tilespmem:s22], [sflag:$0x5], $0x80, $0x38;
	[tilespmem:$0x10080] =	vst v63  }
0x19: {  	v2 =	vadd.s32 v2, v4;
	_ =	swait.ge [sflag:s23], $0x80  }
0x1a: {  	s24 =	sadd.s32 $0x1, s24;
	v1 =	vadd.s32 v1, v2;
	[sflag:s23] =	ssyncset.done $0x0  }
0x1b: {  	p0 =	sne.s32 s24, s14;
	v1 =	vadd.s32 v3, v1;
	[sflag:s23] =	ssyncadd.s32 $0xFFFFFF80  }
.Ltmp1:
0x1c: {  	[tilespmem:$0x10000] =	vst v1;
	(pc) =	sbr.rel @!p0 .LBB2_21-.Ltmp1, $4  }
0x1d: {  	[hbm4b:s13+s2] =	stream.linear.scatter [tilespmem:s22], [sflag:$0x5], $0x80, $0x38;
	[tilespmem:$0x10080] =	vst v63  }
0x1e: {  	_ =	swait.ge [sflag:s23], $0x80  }
0x1f: {  	[sflag:s23] =	ssyncset.done $0x0  }
0x20: {  	[sflag:s23] =	ssyncadd.s32 $0xFFFFFF80  }
.LBB2_1:
0x21: {  	[tilespmem:s2], [sflag:$0x1] =	stream.linear.gather [hbm4b:s4+s2], $0x4000, $0x38;
	[tilespmem:$0x10080] =	vst v63  }
0x22: {  	s0 =	simm.s32 $0x8000;
	v3 =	vimm.s32 $0x0  }
0x23: {  	v1 =	vimm.s32 $0x0;
	v2 =	vimm.s32 $0x0;
	v6 =	vimm.s32 $0x0;
	[tilespmem:s0], [sflag:$0x3] =	stream.linear.gather [hbm4b:s5+s2], $0x4000, $0x38;
	[tilespmem:$0x10080] =	vst v63  }
0x24: {  	v7 =	vimm.s32 $0x0;
	v5 =	vimm.s32 $0x0;
	v8 =	vimm.s32 $0x0  }
0x25: {  	v10 =	vimm.s32 $0x0;
	v11 =	vimm.s32 $0x0;
	v4 =	vimm.s32 $0x0;
	[tilespmem:s16], [sflag:$0x2] =	stream.linear.gather [hbm4b:s6+s2], $0x4000, $0x38;
	[tilespmem:$0x10080] =	vst v63  }
0x26: {  	v9 =	vimm.s32 $0x0;
	v13 =	vimm.s32 $0x0;
	v14 =	vimm.s32 $0x0;
	s25 =	simm.s32 $0x0  }
0x27: {  	v12 =	vimm.s32 $0x0;
	v15 =	vimm.s32 $0x0;
	v16 =	vimm.s32 $0x0;
	[tilespmem:s17], [sflag:$0x4] =	stream.linear.gather [hbm4b:s7+s2], $0x4000, $0x38;
	[tilespmem:$0x10080] =	vst v63  }
.LBB2_2:
0x28: {  	_ =	swait.ge [sflag:s18], $0x4000  }
0x29: {  	s26 =	simm.s32 $0x0;
	[sflag:s18] =	ssyncset.done $0x0  }
0x2a: {  	s28 =	simm.s32 $0x0;
	s29 =	simm.s32 $0x0;
	[sflag:s18] =	ssyncadd.s32 $0xFFFFC000  }
.LBB2_3:
0x2b: {  	s0 =	sshll.u32 s28, $0x2;
	s1 =	sand.u32 $0x7, s26  }
0x2c: {  	s0 =	sand.u32 $0xFFFF8000, s0;
	s1 =	sshll.u32 s1, $0x9  }
0x2d: {  	s0 =	sor.u32 s1, s0  }
0x2e: {  	s0 =	sshrl.u32 s0, $0x2  }
0x2f: {  	s0 =	sor.u32 $0x40, s0  }
0x30: {  	v17 =	vmov s0;
	_ =	sdelay $0x3  }
0x31: {  	s31 =	simm.s32 $0x0  }
0x32: {  	v19 =	vld.idx.msk [tilespmem:v17+s31+$0x30 ss:$0x1], $0xffff  }
0x33: {  	v24 =	vld.idx.msk [tilespmem:v17+s31+$0xFFFFFFC0 ss:$0x1], $0xffff  }
0x34: {  	v23 =	vld.idx.msk [tilespmem:v17+s31+$0xFFFFFFD0 ss:$0x1], $0xffff  }
0x35: {  	v22 =	vld.idx.msk [tilespmem:v17+s31+$0xFFFFFFE0 ss:$0x1], $0xffff  }
0x36: {  	v21 =	vld.idx.msk [tilespmem:v17+s31+$0xFFFFFFF0 ss:$0x1], $0xffff  }
0x37: {  	v20 =	vld.idx.msk [tilespmem:v17+s31+$0x0 ss:$0x1], $0xffff  }
0x38: {  	v18 =	vld.idx.msk [tilespmem:v17+s31+$0x10 ss:$0x1], $0xffff;
	vm1 =	vgt.f32 v19, $0.0e+00  }
0x39: {  	s30 =	simm.s32 $0x400;
	s0 =	simm.s32 $0x2000;
	vm0 =	vgt.f32 v24, $0.0e+00;
	v19 =	vld.idx.msk [tilespmem:v17+s31+$0x20 ss:$0x1], $0xffff;
	v24 =	vsel vm1, $0x1, v0  }
.LBB2_4:
0x3a: {  	p0 =	sne.s32 s0, $0x7000;
	v25 =	vld.idx.msk [tilespmem:v17+s30+$0x30 ss:$0x1], $0xffff;
	v26 =	vsel vm0, $0x1, v0;
	vm0 =	vgt.f32 v23, $0.0e+00;
	v11 =	vadd.s32 v24, v11  }
0x3b: {  	v24 =	vld.idx.msk [tilespmem:v17+s30+$0xFFFFFFC0 ss:$0x1], $0xffff;
	v16 =	vadd.s32 v26, v16;
	v26 =	vsel vm0, $0x1, v0;
	vm0 =	vgt.f32 v22, $0.0e+00  }
0x3c: {  	v23 =	vld.idx.msk [tilespmem:v17+s30+$0xFFFFFFD0 ss:$0x1], $0xffff;
	v15 =	vadd.s32 v26, v15;
	v26 =	vsel vm0, $0x1, v0;
	vm0 =	vgt.f32 v21, $0.0e+00  }
.Ltmp2:
0x3d: {  	v22 =	vld.idx.msk [tilespmem:v17+s30+$0xFFFFFFE0 ss:$0x1], $0xffff;
	v12 =	vadd.s32 v26, v12;
	v26 =	vsel vm0, $0x1, v0;
	vm0 =	vgt.f32 v20, $0.0e+00;
	(pc) =	sbr.rel @p0 .LBB2_4-.Ltmp2, $4  }
0x3e: {  	v21 =	vld.idx.msk [tilespmem:v17+s30+$0xFFFFFFF0 ss:$0x1], $0xffff;
	v14 =	vadd.s32 v26, v14;
	v26 =	vsel vm0, $0x1, v0;
	vm0 =	vgt.f32 v18, $0.0e+00  }
0x3f: {  	v20 =	vld.idx.msk [tilespmem:v17+s30+$0x0 ss:$0x1], $0xffff;
	v13 =	vadd.s32 v26, v13;
	v26 =	vsel vm0, $0x1, v0;
	vm0 =	vgt.f32 v19, $0.0e+00  }
0x40: {  	vm1 =	vgt.f32 v25, $0.0e+00;
	v18 =	vld.idx.msk [tilespmem:v17+s30+$0x10 ss:$0x1], $0xffff;
	v9 =	vadd.s32 v26, v9;
	v25 =	vsel vm0, $0x1, v0  }
0x41: {  	vm0 =	vgt.f32 v24, $0.0e+00;
	v24 =	vsel vm1, $0x1, v0;
	v19 =	vld.idx.msk [tilespmem:v17+s30+$0x20 ss:$0x1], $0xffff;
	s30 =	sshra.s32 s0, $0x2;
	s0 =	sadd.s32 $0x1000, s0;
	v4 =	vadd.s32 v25, v4  }
0x42: {  	_ =	sdelay $0x3  }
0x43: {  	v25 =	vld.idx.msk [tilespmem:v17+s30+$0x30 ss:$0x1], $0xffff  }
0x44: {  	v26 =	vsel vm0, $0x1, v0;
	vm15 =	vgt.f32 v23, $0.0e+00;
	v11 =	vadd.s32 v24, v11;
	v52 =	vld.idx.msk [tilespmem:v17+s30+$0xFFFFFFC0 ss:$0x1], $0xffff  }
0x45: {  	vm4 =	vgt.f32 v22, $0.0e+00;
	v54 =	vld.idx.msk [tilespmem:v17+s30+$0xFFFFFFD0 ss:$0x1], $0xffff;
	v16 =	vadd.s32 v26, v16;
	v53 =	vsel vm15, $0x1, v0  }
0x46: {  	v56 =	vld.idx.msk [tilespmem:v17+s30+$0xFFFFFFE0 ss:$0x1], $0xffff;
	v55 =	vsel vm4, $0x1, v0;
	vm5 =	vgt.f32 v21, $0.0e+00;
	v15 =	vadd.s32 v53, v15  }
0x47: {  	v58 =	vld.idx.msk [tilespmem:v17+s30+$0xFFFFFFF0 ss:$0x1], $0xffff;
	v12 =	vadd.s32 v55, v12;
	v57 =	vsel vm5, $0x1, v0;
	vm6 =	vgt.f32 v20, $0.0e+00  }
0x48: {  	v14 =	vadd.s32 v57, v14;
	v59 =	vsel vm6, $0x1, v0;
	vm7 =	vgt.f32 v18, $0.0e+00  }
0x49: {  	v18 =	vld.idx.msk [tilespmem:v17+s30+$0x0 ss:$0x1], $0xffff;
	v13 =	vadd.s32 v59, v13;
	v60 =	vsel vm7, $0x1, v0;
	vm8 =	vgt.f32 v19, $0.0e+00  }
0x4a: {  	v19 =	vld.idx.msk [tilespmem:v17+s30+$0x10 ss:$0x1], $0xffff;
	vm1 =	vgt.f32 v25, $0.0e+00;
	v9 =	vadd.s32 v60, v9;
	v61 =	vsel vm8, $0x1, v0  }
0x4b: {  	v17 =	vld.idx.msk [tilespmem:v17+s30+$0x20 ss:$0x1], $0xffff;
	vm9 =	vgt.f32 v52, $0.0e+00;
	vm10 =	vgt.f32 v54, $0.0e+00;
	vm11 =	vgt.f32 v56, $0.0e+00  }
0x4c: {  	s29 =	sadd.s32 $0x1, s29;
	vm12 =	vgt.f32 v58, $0.0e+00;
	v62 =	vsel vm1, $0x1, v0;
	v4 =	vadd.s32 v61, v4  }
0x4d: {  	p0 =	sne.s32 s29, $0x10;
	v63 =	vsel vm9, $0x1, v0;
	v22 =	vsel vm10, $0x1, v0;
	v21 =	vsel vm11, $0x1, v0  }
.Ltmp3:
0x4e: {  	v20 =	vsel vm12, $0x1, v0;
	v11 =	vadd.s32 v62, v11;
	v16 =	vadd.s32 v63, v16;
	(pc) =	sbr.rel @p0 .LBB2_3-.Ltmp3, $4  }
0x4f: {  	v15 =	vadd.s32 v22, v15;
	v12 =	vadd.s32 v21, v12;
	v14 =	vadd.s32 v20, v14  }
0x50: {  	vm13 =	vgt.f32 v18, $0.0e+00;
	vm14 =	vgt.f32 v19, $0.0e+00;
	vm15 =	vgt.f32 v17, $0.0e+00  }
0x51: {  	v18 =	vsel vm13, $0x1, v0;
	v17 =	vsel vm14, $0x1, v0;
	v19 =	vsel vm15, $0x1, v0  }
0x52: {  	s28 =	sadd.s32 $0x400, s28;
	s26 =	sadd.s32 $0x1, s26;
	v13 =	vadd.s32 v18, v13;
	v9 =	vadd.s32 v17, v9;
	v4 =	vadd.s32 v19, v4  }
0x53: {  	s0 =	sshll.u32 s25, $0x5  }
0x54: {  	p0 =	seq.s32 s25, $0xC;
	s26 =	sadd.s32 s3, s0  }
0x55: {  	s28 =	sshll.u32 @!p0 s26, $0x7  }
0x56: {  	s1 =	simm.s32 @!p0 $0x0;
	s0 =	sadd.s32 @!p0 s28, s8  }
0x57: {  	[tilespmem:s1], [sflag:$0x1] =	stream.linear.gather @!p0 [hbm4b:s0+s1], $0x4000, $0x38;
	[tilespmem:$0x10080] =	vst v63  }
0x58: {  	_ =	swait.ge [sflag:s19], $0x4000  }
0x59: {  	s29 =	simm.s32 $0x0;
	[sflag:s19] =	ssyncset.done $0x0  }
0x5a: {  	s30 =	simm.s32 $0x0;
	s31 =	simm.s32 $0x0;
	[sflag:s19] =	ssyncadd.s32 $0xFFFFC000  }
.LBB2_7:
0x5b: {  	s0 =	sshll.u32 s30, $0x2;
	s1 =	sand.u32 $0x7, s29  }
0x5c: {  	s0 =	sand.u32 $0xFFFF8000, s0;
	s1 =	sshll.u32 s1, $0x9  }
0x5d: {  	s0 =	sor.u32 s1, s0  }
0x5e: {  	s0 =	sshrl.u32 s0, $0x2  }
0x5f: {  	s0 =	sadd.s32 $0x8040, s0  }
0x60: {  	v17 =	vmov s0;
	_ =	sdelay $0x3  }
0x61: {  	s15 =	simm.s32 $0x0  }
0x62: {  	v19 =	vld.idx.msk [tilespmem:v17+s15+$0x30 ss:$0x1], $0xffff  }
0x63: {  	v24 =	vld.idx.msk [tilespmem:v17+s15+$0xFFFFFFC0 ss:$0x1], $0xffff  }
0x64: {  	v23 =	vld.idx.msk [tilespmem:v17+s15+$0xFFFFFFD0 ss:$0x1], $0xffff  }
0x65: {  	v22 =	vld.idx.msk [tilespmem:v17+s15+$0xFFFFFFE0 ss:$0x1], $0xffff  }
0x66: {  	v21 =	vld.idx.msk [tilespmem:v17+s15+$0xFFFFFFF0 ss:$0x1], $0xffff  }
0x67: {  	v20 =	vld.idx.msk [tilespmem:v17+s15+$0x0 ss:$0x1], $0xffff  }
0x68: {  	v18 =	vld.idx.msk [tilespmem:v17+s15+$0x10 ss:$0x1], $0xffff;
	vm1 =	vgt.f32 v19, $0.0e+00  }
0x69: {  	s1 =	simm.s32 $0x2000;
	s0 =	simm.s32 $0x400;
	vm0 =	vgt.f32 v24, $0.0e+00;
	v19 =	vld.idx.msk [tilespmem:v17+s15+$0x20 ss:$0x1], $0xffff;
	v24 =	vsel vm1, $0x1, v0  }
.LBB2_8:
0x6a: {  	p1 =	sne.s32 s1, $0x7000;
	v25 =	vld.idx.msk [tilespmem:v17+s0+$0x30 ss:$0x1], $0xffff;
	v26 =	vsel vm0, $0x1, v0;
	vm0 =	vgt.f32 v23, $0.0e+00;
	v3 =	vadd.s32 v24, v3  }
0x6b: {  	v24 =	vld.idx.msk [tilespmem:v17+s0+$0xFFFFFFC0 ss:$0x1], $0xffff;
	v10 =	vadd.s32 v26, v10;
	v26 =	vsel vm0, $0x1, v0;
	vm0 =	vgt.f32 v22, $0.0e+00  }
0x6c: {  	v23 =	vld.idx.msk [tilespmem:v17+s0+$0xFFFFFFD0 ss:$0x1], $0xffff;
	v8 =	vadd.s32 v26, v8;
	v26 =	vsel vm0, $0x1, v0;
	vm0 =	vgt.f32 v21, $0.0e+00  }
.Ltmp4:
0x6d: {  	v22 =	vld.idx.msk [tilespmem:v17+s0+$0xFFFFFFE0 ss:$0x1], $0xffff;
	v5 =	vadd.s32 v26, v5;
	v26 =	vsel vm0, $0x1, v0;
	vm0 =	vgt.f32 v20, $0.0e+00;
	(pc) =	sbr.rel @p1 .LBB2_8-.Ltmp4, $4  }
0x6e: {  	v21 =	vld.idx.msk [tilespmem:v17+s0+$0xFFFFFFF0 ss:$0x1], $0xffff;
	v7 =	vadd.s32 v26, v7;
	v26 =	vsel vm0, $0x1, v0;
	vm0 =	vgt.f32 v18, $0.0e+00  }
0x6f: {  	v20 =	vld.idx.msk [tilespmem:v17+s0+$0x0 ss:$0x1], $0xffff;
	v6 =	vadd.s32 v26, v6;
	v26 =	vsel vm0, $0x1, v0;
	vm0 =	vgt.f32 v19, $0.0e+00  }
0x70: {  	vm1 =	vgt.f32 v25, $0.0e+00;
	v18 =	vld.idx.msk [tilespmem:v17+s0+$0x10 ss:$0x1], $0xffff;
	v2 =	vadd.s32 v26, v2;
	v25 =	vsel vm0, $0x1, v0  }
0x71: {  	vm0 =	vgt.f32 v24, $0.0e+00;
	v24 =	vsel vm1, $0x1, v0;
	v19 =	vld.idx.msk [tilespmem:v17+s0+$0x20 ss:$0x1], $0xffff;
	s0 =	sshra.s32 s1, $0x2;
	s1 =	sadd.s32 $0x1000, s1;
	v1 =	vadd.s32 v25, v1  }
0x72: {  	_ =	sdelay $0x3  }
0x73: {  	v25 =	vld.idx.msk [tilespmem:v17+s0+$0x30 ss:$0x1], $0xffff  }
0x74: {  	v26 =	vsel vm0, $0x1, v0;
	vm15 =	vgt.f32 v23, $0.0e+00;
	v3 =	vadd.s32 v24, v3;
	v52 =	vld.idx.msk [tilespmem:v17+s0+$0xFFFFFFC0 ss:$0x1], $0xffff  }
0x75: {  	vm4 =	vgt.f32 v22, $0.0e+00;
	v54 =	vld.idx.msk [tilespmem:v17+s0+$0xFFFFFFD0 ss:$0x1], $0xffff;
	v10 =	vadd.s32 v26, v10;
	v53 =	vsel vm15, $0x1, v0  }
0x76: {  	v56 =	vld.idx.msk [tilespmem:v17+s0+$0xFFFFFFE0 ss:$0x1], $0xffff;
	v55 =	vsel vm4, $0x1, v0;
	vm5 =	vgt.f32 v21, $0.0e+00;
	v8 =	vadd.s32 v53, v8  }
0x77: {  	v58 =	vld.idx.msk [tilespmem:v17+s0+$0xFFFFFFF0 ss:$0x1], $0xffff;
	v5 =	vadd.s32 v55, v5;
	v57 =	vsel vm5, $0x1, v0;
	vm6 =	vgt.f32 v20, $0.0e+00  }
0x78: {  	v7 =	vadd.s32 v57, v7;
	v59 =	vsel vm6, $0x1, v0;
	vm7 =	vgt.f32 v18, $0.0e+00  }
0x79: {  	v18 =	vld.idx.msk [tilespmem:v17+s0+$0x0 ss:$0x1], $0xffff;
	v6 =	vadd.s32 v59, v6;
	v60 =	vsel vm7, $0x1, v0;
	vm8 =	vgt.f32 v19, $0.0e+00  }
0x7a: {  	v19 =	vld.idx.msk [tilespmem:v17+s0+$0x10 ss:$0x1], $0xffff;
	vm1 =	vgt.f32 v25, $0.0e+00;
	v2 =	vadd.s32 v60, v2;
	v61 =	vsel vm8, $0x1, v0  }
0x7b: {  	v17 =	vld.idx.msk [tilespmem:v17+s0+$0x20 ss:$0x1], $0xffff;
	vm9 =	vgt.f32 v52, $0.0e+00;
	vm10 =	vgt.f32 v54, $0.0e+00;
	vm11 =	vgt.f32 v56, $0.0e+00  }
0x7c: {  	s31 =	sadd.s32 $0x1, s31;
	vm12 =	vgt.f32 v58, $0.0e+00;
	v62 =	vsel vm1, $0x1, v0;
	v1 =	vadd.s32 v61, v1  }
0x7d: {  	p1 =	sne.s32 s31, $0x10;
	v63 =	vsel vm9, $0x1, v0;
	v22 =	vsel vm10, $0x1, v0;
	v21 =	vsel vm11, $0x1, v0  }
.Ltmp5:
0x7e: {  	v20 =	vsel vm12, $0x1, v0;
	v3 =	vadd.s32 v62, v3;
	v10 =	vadd.s32 v63, v10;
	(pc) =	sbr.rel @p1 .LBB2_7-.Ltmp5, $4  }
0x7f: {  	v8 =	vadd.s32 v22, v8;
	v5 =	vadd.s32 v21, v5;
	v7 =	vadd.s32 v20, v7  }
0x80: {  	vm13 =	vgt.f32 v18, $0.0e+00;
	vm14 =	vgt.f32 v19, $0.0e+00;
	vm15 =	vgt.f32 v17, $0.0e+00  }
0x81: {  	v18 =	vsel vm13, $0x1, v0;
	v17 =	vsel vm14, $0x1, v0;
	v19 =	vsel vm15, $0x1, v0  }
0x82: {  	s30 =	sadd.s32 $0x400, s30;
	s29 =	sadd.s32 $0x1, s29;
	v6 =	vadd.s32 v18, v6;
	v2 =	vadd.s32 v17, v2;
	v1 =	vadd.s32 v19, v1  }
0x83: {  	s0 =	sadd.s32 @!p0 s28, s9;
	s1 =	simm.s32 @!p0 $0x0;
	s15 =	simm.s32 @!p0 $0x8000  }
0x84: {  	[tilespmem:s15], [sflag:$0x3] =	stream.linear.gather @!p0 [hbm4b:s0+s1], $0x4000, $0x38;
	[tilespmem:$0x10080] =	vst v63  }
0x85: {  	_ =	swait.ge [sflag:s20], $0x4000  }
0x86: {  	s29 =	simm.s32 $0x0;
	[sflag:s20] =	ssyncset.done $0x0  }
0x87: {  	s30 =	simm.s32 $0x0;
	s31 =	simm.s32 $0x0;
	[sflag:s20] =	ssyncadd.s32 $0xFFFFC000  }
.LBB2_11:
0x88: {  	s0 =	sshll.u32 s30, $0x2;
	s1 =	sand.u32 $0x7, s29  }
0x89: {  	s0 =	sand.u32 $0xFFFF8000, s0;
	s1 =	sshll.u32 s1, $0x9  }
0x8a: {  	s0 =	sor.u32 s1, s0  }
0x8b: {  	s0 =	sshrl.u32 s0, $0x2  }
0x8c: {  	s0 =	sadd.s32 $0x4040, s0  }
0x8d: {  	v17 =	vmov s0;
	_ =	sdelay $0x3  }
0x8e: {  	s15 =	simm.s32 $0x0  }
0x8f: {  	v19 =	vld.idx.msk [tilespmem:v17+s15+$0x30 ss:$0x1], $0xffff  }
0x90: {  	v24 =	vld.idx.msk [tilespmem:v17+s15+$0xFFFFFFC0 ss:$0x1], $0xffff  }
0x91: {  	v23 =	vld.idx.msk [tilespmem:v17+s15+$0xFFFFFFD0 ss:$0x1], $0xffff  }
0x92: {  	v22 =	vld.idx.msk [tilespmem:v17+s15+$0xFFFFFFE0 ss:$0x1], $0xffff  }
0x93: {  	v21 =	vld.idx.msk [tilespmem:v17+s15+$0xFFFFFFF0 ss:$0x1], $0xffff  }
0x94: {  	v20 =	vld.idx.msk [tilespmem:v17+s15+$0x0 ss:$0x1], $0xffff  }
0x95: {  	v18 =	vld.idx.msk [tilespmem:v17+s15+$0x10 ss:$0x1], $0xffff;
	vm1 =	vgt.f32 v19, $0.0e+00  }
0x96: {  	s1 =	simm.s32 $0x2000;
	s0 =	simm.s32 $0x400;
	vm0 =	vgt.f32 v24, $0.0e+00;
	v19 =	vld.idx.msk [tilespmem:v17+s15+$0x20 ss:$0x1], $0xffff;
	v24 =	vsel vm1, $0x1, v0  }
.LBB2_12:
0x97: {  	p1 =	sne.s32 s1, $0x7000;
	v25 =	vld.idx.msk [tilespmem:v17+s0+$0x30 ss:$0x1], $0xffff;
	v26 =	vsel vm0, $0x1, v0;
	vm0 =	vgt.f32 v23, $0.0e+00;
	v11 =	vadd.s32 v24, v11  }
0x98: {  	v24 =	vld.idx.msk [tilespmem:v17+s0+$0xFFFFFFC0 ss:$0x1], $0xffff;
	v16 =	vadd.s32 v26, v16;
	v26 =	vsel vm0, $0x1, v0;
	vm0 =	vgt.f32 v22, $0.0e+00  }
0x99: {  	v23 =	vld.idx.msk [tilespmem:v17+s0+$0xFFFFFFD0 ss:$0x1], $0xffff;
	v15 =	vadd.s32 v26, v15;
	v26 =	vsel vm0, $0x1, v0;
	vm0 =	vgt.f32 v21, $0.0e+00  }
.Ltmp6:
0x9a: {  	v22 =	vld.idx.msk [tilespmem:v17+s0+$0xFFFFFFE0 ss:$0x1], $0xffff;
	v12 =	vadd.s32 v26, v12;
	v26 =	vsel vm0, $0x1, v0;
	vm0 =	vgt.f32 v20, $0.0e+00;
	(pc) =	sbr.rel @p1 .LBB2_12-.Ltmp6, $4  }
0x9b: {  	v21 =	vld.idx.msk [tilespmem:v17+s0+$0xFFFFFFF0 ss:$0x1], $0xffff;
	v14 =	vadd.s32 v26, v14;
	v26 =	vsel vm0, $0x1, v0;
	vm0 =	vgt.f32 v18, $0.0e+00  }
0x9c: {  	v20 =	vld.idx.msk [tilespmem:v17+s0+$0x0 ss:$0x1], $0xffff;
	v13 =	vadd.s32 v26, v13;
	v26 =	vsel vm0, $0x1, v0;
	vm0 =	vgt.f32 v19, $0.0e+00  }
0x9d: {  	vm1 =	vgt.f32 v25, $0.0e+00;
	v18 =	vld.idx.msk [tilespmem:v17+s0+$0x10 ss:$0x1], $0xffff;
	v9 =	vadd.s32 v26, v9;
	v25 =	vsel vm0, $0x1, v0  }
0x9e: {  	vm0 =	vgt.f32 v24, $0.0e+00;
	v24 =	vsel vm1, $0x1, v0;
	v19 =	vld.idx.msk [tilespmem:v17+s0+$0x20 ss:$0x1], $0xffff;
	s0 =	sshra.s32 s1, $0x2;
	s1 =	sadd.s32 $0x1000, s1;
	v4 =	vadd.s32 v25, v4  }
0x9f: {  	_ =	sdelay $0x3  }
0xa0: {  	v25 =	vld.idx.msk [tilespmem:v17+s0+$0x30 ss:$0x1], $0xffff  }
0xa1: {  	v26 =	vsel vm0, $0x1, v0;
	vm15 =	vgt.f32 v23, $0.0e+00;
	v11 =	vadd.s32 v24, v11;
	v52 =	vld.idx.msk [tilespmem:v17+s0+$0xFFFFFFC0 ss:$0x1], $0xffff  }
0xa2: {  	vm4 =	vgt.f32 v22, $0.0e+00;
	v54 =	vld.idx.msk [tilespmem:v17+s0+$0xFFFFFFD0 ss:$0x1], $0xffff;
	v16 =	vadd.s32 v26, v16;
	v53 =	vsel vm15, $0x1, v0  }
0xa3: {  	v56 =	vld.idx.msk [tilespmem:v17+s0+$0xFFFFFFE0 ss:$0x1], $0xffff;
	v55 =	vsel vm4, $0x1, v0;
	vm5 =	vgt.f32 v21, $0.0e+00;
	v15 =	vadd.s32 v53, v15  }
0xa4: {  	v58 =	vld.idx.msk [tilespmem:v17+s0+$0xFFFFFFF0 ss:$0x1], $0xffff;
	v12 =	vadd.s32 v55, v12;
	v57 =	vsel vm5, $0x1, v0;
	vm6 =	vgt.f32 v20, $0.0e+00  }
0xa5: {  	v14 =	vadd.s32 v57, v14;
	v59 =	vsel vm6, $0x1, v0;
	vm7 =	vgt.f32 v18, $0.0e+00  }
0xa6: {  	v18 =	vld.idx.msk [tilespmem:v17+s0+$0x0 ss:$0x1], $0xffff;
	v13 =	vadd.s32 v59, v13;
	v60 =	vsel vm7, $0x1, v0;
	vm8 =	vgt.f32 v19, $0.0e+00  }
0xa7: {  	v19 =	vld.idx.msk [tilespmem:v17+s0+$0x10 ss:$0x1], $0xffff;
	vm1 =	vgt.f32 v25, $0.0e+00;
	v9 =	vadd.s32 v60, v9;
	v61 =	vsel vm8, $0x1, v0  }
0xa8: {  	v17 =	vld.idx.msk [tilespmem:v17+s0+$0x20 ss:$0x1], $0xffff;
	vm9 =	vgt.f32 v52, $0.0e+00;
	vm10 =	vgt.f32 v54, $0.0e+00;
	vm11 =	vgt.f32 v56, $0.0e+00  }
0xa9: {  	s31 =	sadd.s32 $0x1, s31;
	vm12 =	vgt.f32 v58, $0.0e+00;
	v62 =	vsel vm1, $0x1, v0;
	v4 =	vadd.s32 v61, v4  }
0xaa: {  	p1 =	sne.s32 s31, $0x10;
	v63 =	vsel vm9, $0x1, v0;
	v22 =	vsel vm10, $0x1, v0;
	v21 =	vsel vm11, $0x1, v0  }
.Ltmp7:
0xab: {  	v20 =	vsel vm12, $0x1, v0;
	v11 =	vadd.s32 v62, v11;
	v16 =	vadd.s32 v63, v16;
	(pc) =	sbr.rel @p1 .LBB2_11-.Ltmp7, $4  }
0xac: {  	v15 =	vadd.s32 v22, v15;
	v12 =	vadd.s32 v21, v12;
	v14 =	vadd.s32 v20, v14  }
0xad: {  	vm13 =	vgt.f32 v18, $0.0e+00;
	vm14 =	vgt.f32 v19, $0.0e+00;
	vm15 =	vgt.f32 v17, $0.0e+00  }
0xae: {  	v18 =	vsel vm13, $0x1, v0;
	v17 =	vsel vm14, $0x1, v0;
	v19 =	vsel vm15, $0x1, v0  }
0xaf: {  	s30 =	sadd.s32 $0x400, s30;
	s29 =	sadd.s32 $0x1, s29;
	v13 =	vadd.s32 v18, v13;
	v9 =	vadd.s32 v17, v9;
	v4 =	vadd.s32 v19, v4  }
0xb0: {  	s0 =	sadd.s32 @!p0 s28, s10;
	s1 =	simm.s32 @!p0 $0x0;
	s15 =	simm.s32 @!p0 $0x4000  }
0xb1: {  	[tilespmem:s15], [sflag:$0x2] =	stream.linear.gather @!p0 [hbm4b:s0+s1], $0x4000, $0x38;
	[tilespmem:$0x10080] =	vst v63  }
0xb2: {  	_ =	swait.ge [sflag:s21], $0x4000  }
0xb3: {  	s28 =	simm.s32 $0x0;
	[sflag:s21] =	ssyncset.done $0x0  }
0xb4: {  	s29 =	simm.s32 $0x0;
	s30 =	simm.s32 $0x0;
	[sflag:s21] =	ssyncadd.s32 $0xFFFFC000  }
.LBB2_15:
0xb5: {  	s0 =	sshll.u32 s29, $0x2;
	s1 =	sand.u32 $0x7, s28  }
0xb6: {  	s0 =	sand.u32 $0xFFFF8000, s0;
	s1 =	sshll.u32 s1, $0x9  }
0xb7: {  	s0 =	sor.u32 s1, s0  }
0xb8: {  	s0 =	sshrl.u32 s0, $0x2  }
0xb9: {  	s0 =	sadd.s32 $0xC040, s0  }
0xba: {  	v17 =	vmov s0;
	_ =	sdelay $0x3  }
0xbb: {  	s15 =	simm.s32 $0x0  }
0xbc: {  	v19 =	vld.idx.msk [tilespmem:v17+s15+$0x30 ss:$0x1], $0xffff  }
0xbd: {  	v24 =	vld.idx.msk [tilespmem:v17+s15+$0xFFFFFFC0 ss:$0x1], $0xffff  }
0xbe: {  	v23 =	vld.idx.msk [tilespmem:v17+s15+$0xFFFFFFD0 ss:$0x1], $0xffff  }
0xbf: {  	v22 =	vld.idx.msk [tilespmem:v17+s15+$0xFFFFFFE0 ss:$0x1], $0xffff  }
0xc0: {  	v21 =	vld.idx.msk [tilespmem:v17+s15+$0xFFFFFFF0 ss:$0x1], $0xffff  }
0xc1: {  	v20 =	vld.idx.msk [tilespmem:v17+s15+$0x0 ss:$0x1], $0xffff  }
0xc2: {  	v18 =	vld.idx.msk [tilespmem:v17+s15+$0x10 ss:$0x1], $0xffff;
	vm1 =	vgt.f32 v19, $0.0e+00  }
0xc3: {  	s1 =	simm.s32 $0x2000;
	s0 =	simm.s32 $0x400;
	vm0 =	vgt.f32 v24, $0.0e+00;
	v19 =	vld.idx.msk [tilespmem:v17+s15+$0x20 ss:$0x1], $0xffff;
	v24 =	vsel vm1, $0x1, v0  }
.LBB2_16:
0xc4: {  	p1 =	sne.s32 s1, $0x7000;
	v25 =	vld.idx.msk [tilespmem:v17+s0+$0x30 ss:$0x1], $0xffff;
	v26 =	vsel vm0, $0x1, v0;
	vm0 =	vgt.f32 v23, $0.0e+00;
	v3 =	vadd.s32 v24, v3  }
0xc5: {  	v24 =	vld.idx.msk [tilespmem:v17+s0+$0xFFFFFFC0 ss:$0x1], $0xffff;
	v10 =	vadd.s32 v26, v10;
	v26 =	vsel vm0, $0x1, v0;
	vm0 =	vgt.f32 v22, $0.0e+00  }
0xc6: {  	v23 =	vld.idx.msk [tilespmem:v17+s0+$0xFFFFFFD0 ss:$0x1], $0xffff;
	v8 =	vadd.s32 v26, v8;
	v26 =	vsel vm0, $0x1, v0;
	vm0 =	vgt.f32 v21, $0.0e+00  }
.Ltmp8:
0xc7: {  	v22 =	vld.idx.msk [tilespmem:v17+s0+$0xFFFFFFE0 ss:$0x1], $0xffff;
	v5 =	vadd.s32 v26, v5;
	v26 =	vsel vm0, $0x1, v0;
	vm0 =	vgt.f32 v20, $0.0e+00;
	(pc) =	sbr.rel @p1 .LBB2_16-.Ltmp8, $4  }
0xc8: {  	v21 =	vld.idx.msk [tilespmem:v17+s0+$0xFFFFFFF0 ss:$0x1], $0xffff;
	v7 =	vadd.s32 v26, v7;
	v26 =	vsel vm0, $0x1, v0;
	vm0 =	vgt.f32 v18, $0.0e+00  }
0xc9: {  	v20 =	vld.idx.msk [tilespmem:v17+s0+$0x0 ss:$0x1], $0xffff;
	v6 =	vadd.s32 v26, v6;
	v26 =	vsel vm0, $0x1, v0;
	vm0 =	vgt.f32 v19, $0.0e+00  }
0xca: {  	vm1 =	vgt.f32 v25, $0.0e+00;
	v18 =	vld.idx.msk [tilespmem:v17+s0+$0x10 ss:$0x1], $0xffff;
	v2 =	vadd.s32 v26, v2;
	v25 =	vsel vm0, $0x1, v0  }
0xcb: {  	vm0 =	vgt.f32 v24, $0.0e+00;
	v24 =	vsel vm1, $0x1, v0;
	v19 =	vld.idx.msk [tilespmem:v17+s0+$0x20 ss:$0x1], $0xffff;
	s0 =	sshra.s32 s1, $0x2;
	s1 =	sadd.s32 $0x1000, s1;
	v1 =	vadd.s32 v25, v1  }
0xcc: {  	_ =	sdelay $0x3  }
0xcd: {  	v25 =	vld.idx.msk [tilespmem:v17+s0+$0x30 ss:$0x1], $0xffff  }
0xce: {  	v26 =	vsel vm0, $0x1, v0;
	vm15 =	vgt.f32 v23, $0.0e+00;
	v3 =	vadd.s32 v24, v3;
	v52 =	vld.idx.msk [tilespmem:v17+s0+$0xFFFFFFC0 ss:$0x1], $0xffff  }
0xcf: {  	vm4 =	vgt.f32 v22, $0.0e+00;
	v54 =	vld.idx.msk [tilespmem:v17+s0+$0xFFFFFFD0 ss:$0x1], $0xffff;
	v10 =	vadd.s32 v26, v10;
	v53 =	vsel vm15, $0x1, v0  }
0xd0: {  	v56 =	vld.idx.msk [tilespmem:v17+s0+$0xFFFFFFE0 ss:$0x1], $0xffff;
	v55 =	vsel vm4, $0x1, v0;
	vm5 =	vgt.f32 v21, $0.0e+00;
	v8 =	vadd.s32 v53, v8  }
0xd1: {  	v58 =	vld.idx.msk [tilespmem:v17+s0+$0xFFFFFFF0 ss:$0x1], $0xffff;
	v5 =	vadd.s32 v55, v5;
	v57 =	vsel vm5, $0x1, v0;
	vm6 =	vgt.f32 v20, $0.0e+00  }
0xd2: {  	v7 =	vadd.s32 v57, v7;
	v59 =	vsel vm6, $0x1, v0;
	vm7 =	vgt.f32 v18, $0.0e+00  }
0xd3: {  	v18 =	vld.idx.msk [tilespmem:v17+s0+$0x0 ss:$0x1], $0xffff;
	v6 =	vadd.s32 v59, v6;
	v60 =	vsel vm7, $0x1, v0;
	vm8 =	vgt.f32 v19, $0.0e+00  }
0xd4: {  	v19 =	vld.idx.msk [tilespmem:v17+s0+$0x10 ss:$0x1], $0xffff;
	vm1 =	vgt.f32 v25, $0.0e+00;
	v2 =	vadd.s32 v60, v2;
	v61 =	vsel vm8, $0x1, v0  }
0xd5: {  	v17 =	vld.idx.msk [tilespmem:v17+s0+$0x20 ss:$0x1], $0xffff;
	vm9 =	vgt.f32 v52, $0.0e+00;
	vm10 =	vgt.f32 v54, $0.0e+00;
	vm11 =	vgt.f32 v56, $0.0e+00  }
0xd6: {  	s30 =	sadd.s32 $0x1, s30;
	vm12 =	vgt.f32 v58, $0.0e+00;
	v62 =	vsel vm1, $0x1, v0;
	v1 =	vadd.s32 v61, v1  }
0xd7: {  	p1 =	sne.s32 s30, $0x10;
	v63 =	vsel vm9, $0x1, v0;
	v22 =	vsel vm10, $0x1, v0;
	v21 =	vsel vm11, $0x1, v0  }
.Ltmp9:
0xd8: {  	v20 =	vsel vm12, $0x1, v0;
	v3 =	vadd.s32 v62, v3;
	v10 =	vadd.s32 v63, v10;
	(pc) =	sbr.rel @p1 .LBB2_15-.Ltmp9, $4  }
0xd9: {  	v8 =	vadd.s32 v22, v8;
	v5 =	vadd.s32 v21, v5;
	v7 =	vadd.s32 v20, v7  }
0xda: {  	vm13 =	vgt.f32 v18, $0.0e+00;
	vm14 =	vgt.f32 v19, $0.0e+00;
	vm15 =	vgt.f32 v17, $0.0e+00  }
0xdb: {  	v18 =	vsel vm13, $0x1, v0;
	v17 =	vsel vm14, $0x1, v0;
	v19 =	vsel vm15, $0x1, v0  }
0xdc: {  	s29 =	sadd.s32 $0x400, s29;
	s28 =	sadd.s32 $0x1, s28;
	v6 =	vadd.s32 v18, v6;
	v2 =	vadd.s32 v17, v2;
	v1 =	vadd.s32 v19, v1  }
.Ltmp10:
0xdd: {  	(pc) =	sbr.rel @p0 .LBB2_20-.Ltmp10, $1  }
0xde: {  	_ =	sdelay $0x3  }
.Ltmp11:
0xdf: {  	(pc) =	sbr.rel .LBB2_2-.Ltmp11, $4  }
0xe0: {  	_ = 	snop  }
0xe1: {  	s0 =	sshll.u32 s26, $0x7  }
0xe2: {  	s25 =	sadd.s32 $0x1, s25;
	s0 =	sadd.s32 s0, s11  }
0xe3: {  	[tilespmem:s17], [sflag:$0x4] =	stream.linear.gather [hbm4b:s0+s2], $0x4000, $0x38;
	[tilespmem:$0x10080] =	vst v63  }
.LBB2_21:
0xe4: {  	_ =	sfence.sel $0x180000  }
0xe5: {  	[bflag:$0x0] =	sbarrier.arrive $0xFFFF  }
0xe6: {  	_ =	strace $0x90000047  }
0xe7: {  	s0 =	stileid.u32;
	[bflag:$0x2] =	sbarrier.arrive $0xFFFF  }
0xe8: {  	p0 =	sne.s32 s0, $0x0;
	s0 =	rddreg [dreg:$0x3]  }
0xe9: {  	s0 =	sadd.s32 @!p0 $0x100000, s0  }
0xea: {  	[sflag:s0] =	ssyncadd.tile.s32 @!p0 $0x1;
	_ =	shalt  }
.Lfunc_end2:
_tile_overlayer_lowered:
.L_overlay_start_2:
0xeb: {  	(tag) =	ssettag $0x2  }
0xec: {  	s0 =	rddreg [dreg:$0x0];
	s2 =	stileid.u32  }
0xed: {  	s1 =	rddreg [dreg:$0x1];
	p0 =	sne.s32 s2, $0x0  }
0xee: {  	s3 =	rddreg [dreg:$0x2];
	[bflag:$0x3] =	sbarrier.arrive $0xFFFF;
	s2 =	simm.s32 @!p0 $0x1C05  }
0xef: {  	[timem:s3], [sflag:s2] =	dma.local @!p0 [hbm:s0], s1  }
0xf0: {  	s0 =	simm.s32 @!p0 $0x5  }
0xf1: {  	_ =	swait.ge @!p0 [sflag:s0], s1  }
0xf2: {  	s1 =	ssub.s32 @!p0 $0x0, s1;
	[sflag:s0] =	ssyncset.done @!p0 $0x0  }
0xf3: {  	[sflag:s0] =	ssyncadd.s32 @!p0 s1  }
0xf4: {  	[bflag:$0x3] =	sbarrier.arrive $0xFFFF  }
0xf5: {  	_ =	shalt  }

</sc_bundles>
